<compile_context>
chip_gen: v7x
topology: tpu7x:2x2x1
jax: 0.10.2.dev20260603
libtpu: 0.0.44.dev20260713+nightly
codegen_flags: <defaults>
</compile_context>

<pallas_src>
import functools

import jax
import jax.numpy as jnp
from jax import lax
from jax.experimental import pallas as pl
from jax.experimental.pallas import tpu as pltpu
from jax.experimental.pallas import tpu_sc as plsc

NUM_HEAD = 100
EMBED_DIM = 256
BATCH = 16384

_info = plsc.get_sparse_core_info()
_NC, _NS = _info.num_cores, _info.num_subcores
_NW = _NC * _NS
_B_PER_W = BATCH // _NW
_CHUNK = 128

_mesh = plsc.VectorSubcoreMesh(core_axis_name="c", subcore_axis_name="s")


@functools.partial(
    pl.kernel,
    mesh=_mesh,
    out_type=jax.ShapeDtypeStruct((BATCH, 1, EMBED_DIM), jnp.float32),
    scratch_types=[
        pltpu.VMEM((NUM_HEAD, EMBED_DIM), jnp.float32),
        pltpu.VMEM((_B_PER_W,), jnp.int32),
        pltpu.VMEM((_CHUNK, EMBED_DIM), jnp.float32),
        pltpu.SemaphoreType.DMA,
    ],
)
def _gather_kernel(table_hbm, idx_hbm, out_hbm, table_v, idx_v, dummy_v, sem):
    cidx = lax.axis_index("c")
    sidx = lax.axis_index("s")
    wid = sidx * _NC + cidx
    base = wid * _B_PER_W

    pltpu.sync_copy(idx_hbm.at[pl.ds(base, _B_PER_W)], idx_v)
    pltpu.sync_copy(table_hbm.at[cidx * (_NS // 2) + sidx // 2], table_v)

    _NL = 16

    def body(g, _):
        lblv = idx_v[pl.ds(g * _NL, _NL)]
        for k in range(_NL):
            pltpu.async_copy(
                table_v.at[lblv[k]],
                out_hbm.at[base + g * _NL + k, 0],
                sem,
            )
        return 0

    lax.fori_loop(0, _B_PER_W // _NL, body, 0)
    for i in range(_B_PER_W // _CHUNK):
        pltpu.make_async_copy(
            out_hbm.at[pl.ds(base + i * _CHUNK, _CHUNK), 0], dummy_v, sem
        ).wait()


def kernel(params, labels, head_table):
    del params
    table_rep = jnp.broadcast_to(head_table[None], (_NW // 2, NUM_HEAD, EMBED_DIM))
    return _gather_kernel(table_rep, labels)

# --- scband reference (transcript-rebuilt; emitter-appended) ---
"""Pipeline reference for scband-prompt-encoder-4793183502562 (READ-ONLY COPY).

The authoritative reference and input builder live on the scoring server;
editing this copy changes nothing except your own understanding.
"""

import jax, jax.numpy as jnp
import numpy as np

NUM_HEAD = 100
EMBED_DIM = 256
BATCH = 16384


def setup_inputs(seed: int = 0) -> dict:
    key = jax.random.key(seed)
    k1, k2, k3 = jax.random.split(key, 3)
    params = jax.random.normal(k1, (BATCH, 2), dtype=jnp.float32)
    labels = jax.random.randint(k2, (BATCH,), 0, NUM_HEAD, dtype=jnp.int32)
    # head_embeddings: ModuleList of 100 nn.Embedding(1, embed_dim) -> stacked table [NUM_HEAD, EMBED_DIM]
    head_table = jax.random.normal(k3, (NUM_HEAD, EMBED_DIM), dtype=jnp.float32)
    return {"params": params, "labels": labels, "head_table": head_table}


def reference(params, labels, head_table):
    # _get_batch_size: params is not None -> bs = params.shape[0]
    bs = params.shape[0]
    # _embed_heads: per-row lookup of head_embeddings[label].weight[0] -> [bs, 1, embed_dim]
    head_embedding = jnp.take(head_table, labels, axis=0)[:, None, :]
    # sparse_embeddings starts empty [bs, 0, embed_dim], then concat head embeddings on dim=1
    sparse_embeddings = jnp.concatenate(
        [jnp.zeros((bs, 0, EMBED_DIM), dtype=head_table.dtype), head_embedding], axis=1
    )
    return sparse_embeddings

if __name__ == "__main__":
    import jax
    _d = setup_inputs()
    print(jax.jit(kernel)(*tuple(_d.values())))

</pallas_src>

<mosaic_0001>
#map = affine_map<(d0, d1) -> (0, 0, 0)>
#map1 = affine_map<(d0, d1) -> (0)>
module attributes {stable_mosaic.version = 14 : i64} {
  func.func @_gather_kernel(%arg0: i32, %arg1: i32, %arg2: memref<16x100x256xf32, #tpu.memory_space<hbm>>, %arg3: memref<16384xi32, #tpu.memory_space<hbm>>, %arg4: memref<16384x1x256xf32, #tpu.memory_space<hbm>>, %arg5: memref<100x256xf32, #tpu.memory_space<vmem>>, %arg6: memref<512xi32, #tpu.memory_space<vmem>>, %arg7: memref<128x256xf32, #tpu.memory_space<vmem>>, %arg8: memref<!tpu.dma_semaphore, #tpu.memory_space<semaphore_mem>>) attributes {dimension_semantics = [#tpu.dimension_semantics<core_parallel>, #tpu.dimension_semantics<subcore_parallel>], iteration_bounds = array<i64: 2, 16>, scalar_prefetch = 0 : i64, scratch_operands = 4 : i64, tpu.core_type = #tpu.core_type<sc_vector_subcore>, window_params = [{transform_indices = #map}, {transform_indices = #map1}, {transform_indices = #map}]} {
    %mul3A = arith.constant 2 : i32
    %mul3A_0 = arith.muli %arg1, %mul3A : i32
    %add3A = arith.addi %mul3A_0, %arg0 : i32
    %mul3A_1 = arith.constant 512 : i32
    %mul3A_2 = arith.muli %add3A, %mul3A_1 : i32
    "tpu.region"() ({
      %run_scoped3A = tpu.sem_alloc : memref<!tpu.dma_semaphore, #tpu.memory_space<semaphore_mem>>
      %dma_start3A = tpu.memref_slice %arg3[%mul3A_2] : memref<16384xi32, #tpu.memory_space<hbm>> -> memref<512xi32, #tpu.memory_space<hbm>>
      %dma_start3A_63 = tpu.memref_slice %arg3[%mul3A_2] : memref<16384xi32, #tpu.memory_space<hbm>> -> memref<512xi32, #tpu.memory_space<hbm>>
      tpu.enqueue_dma source(%dma_start3A_63 : memref<512xi32, #tpu.memory_space<hbm>>) target(%arg6 : memref<512xi32, #tpu.memory_space<vmem>>) target_semaphore(%run_scoped3A : memref<!tpu.dma_semaphore, #tpu.memory_space<semaphore_mem>>)
      %dma_wait3A_64 = tpu.memref_slice %arg3[%mul3A_2] : memref<16384xi32, #tpu.memory_space<hbm>> -> memref<512xi32, #tpu.memory_space<hbm>>
      %dma_wait3A_65 = tpu.memref_slice %arg3[%mul3A_2] : memref<16384xi32, #tpu.memory_space<hbm>> -> memref<512xi32, #tpu.memory_space<hbm>>
      tpu.wait_dma2 semaphore(%run_scoped3A : memref<!tpu.dma_semaphore, #tpu.memory_space<semaphore_mem>>) src(%dma_wait3A_65 : memref<512xi32, #tpu.memory_space<hbm>>) dst(%arg6 : memref<512xi32, #tpu.memory_space<vmem>>)
      tpu.yield
    }) : () -> ()
    %mul3A_3 = arith.constant 8 : i32
    %mul3A_4 = arith.muli %arg0, %mul3A_3 : i32
    %jit3A = arith.constant 2 : i32
    %div3A = arith.divsi %arg1, %jit3A : i32
    %sign3A = arith.constant 0 : i32
    %sign3A_5 = arith.cmpi sgt, %arg1, %sign3A : i32
    %sign3A_6 = arith.extui %sign3A_5 : i1 to i32
    %sign3A_7 = arith.constant 0 : i32
    %sign3A_8 = arith.cmpi slt, %arg1, %sign3A_7 : i32
    %sign3A_9 = arith.extui %sign3A_8 : i1 to i32
    %sign3A_10 = arith.subi %sign3A_6, %sign3A_9 : i32
    %sign3A_11 = arith.constant 0 : i32
    %sign3A_12 = arith.cmpi sgt, %jit3A, %sign3A_11 : i32
    %sign3A_13 = arith.extui %sign3A_12 : i1 to i32
    %sign3A_14 = arith.constant 0 : i32
    %sign3A_15 = arith.cmpi slt, %jit3A, %sign3A_14 : i32
    %sign3A_16 = arith.extui %sign3A_15 : i1 to i32
    %sign3A_17 = arith.subi %sign3A_13, %sign3A_16 : i32
    %ne3A = arith.cmpi ne, %sign3A_10, %sign3A_17 : i32
    %rem3A = arith.remsi %arg1, %jit3A : i32
    %ne3A_18 = arith.constant 0 : i32
    %ne3A_19 = arith.cmpi ne, %rem3A, %ne3A_18 : i32
    %and3A = arith.andi %ne3A, %ne3A_19 : i1
    %sub3A = arith.constant 1 : i32
    %sub3A_20 = arith.subi %div3A, %sub3A : i32
    %select_n3A = arith.select %and3A, %sub3A_20, %div3A : i32
    %add3A_21 = arith.addi %mul3A_4, %select_n3A : i32
    "tpu.region"() ({
      %run_scoped3A = tpu.sem_alloc : memref<!tpu.dma_semaphore, #tpu.memory_space<semaphore_mem>>
      %dma_start3A = arith.constant 0 : i32
      %dma_start3A_63 = arith.constant 0 : i32
      %dma_start3A_64 = tpu.memref_slice %arg2[%add3A_21, %dma_start3A, %dma_start3A_63] : memref<16x100x256xf32, #tpu.memory_space<hbm>> -> memref<1x100x256xf32, #tpu.memory_space<hbm>>
      %dma_start3A_65 = tpu.memref_squeeze %dma_start3A_64 : memref<1x100x256xf32, #tpu.memory_space<hbm>> -> memref<100x256xf32, #tpu.memory_space<hbm>>
      %dma_start3A_66 = arith.constant 0 : i32
      %dma_start3A_67 = arith.constant 0 : i32
      %dma_start3A_68 = tpu.memref_slice %arg2[%add3A_21, %dma_start3A_66, %dma_start3A_67] : memref<16x100x256xf32, #tpu.memory_space<hbm>> -> memref<1x100x256xf32, #tpu.memory_space<hbm>>
      %dma_start3A_69 = tpu.memref_squeeze %dma_start3A_68 : memref<1x100x256xf32, #tpu.memory_space<hbm>> -> memref<100x256xf32, #tpu.memory_space<hbm>>
      tpu.enqueue_dma source(%dma_start3A_69 : memref<100x256xf32, #tpu.memory_space<hbm>>) target(%arg5 : memref<100x256xf32, #tpu.memory_space<vmem>>) target_semaphore(%run_scoped3A : memref<!tpu.dma_semaphore, #tpu.memory_space<semaphore_mem>>)
      %dma_wait3A_70 = arith.constant 0 : i32
      %dma_wait3A_71 = arith.constant 0 : i32
      %dma_wait3A_72 = tpu.memref_slice %arg2[%add3A_21, %dma_wait3A_70, %dma_wait3A_71] : memref<16x100x256xf32, #tpu.memory_space<hbm>> -> memref<1x100x256xf32, #tpu.memory_space<hbm>>
      %dma_wait3A_73 = tpu.memref_squeeze %dma_wait3A_72 : memref<1x100x256xf32, #tpu.memory_space<hbm>> -> memref<100x256xf32, #tpu.memory_space<hbm>>
      %dma_wait3A_74 = arith.constant 0 : i32
      %dma_wait3A_75 = arith.constant 0 : i32
      %dma_wait3A_76 = tpu.memref_slice %arg2[%add3A_21, %dma_wait3A_74, %dma_wait3A_75] : memref<16x100x256xf32, #tpu.memory_space<hbm>> -> memref<1x100x256xf32, #tpu.memory_space<hbm>>
      %dma_wait3A_77 = tpu.memref_squeeze %dma_wait3A_76 : memref<1x100x256xf32, #tpu.memory_space<hbm>> -> memref<100x256xf32, #tpu.memory_space<hbm>>
      tpu.wait_dma2 semaphore(%run_scoped3A : memref<!tpu.dma_semaphore, #tpu.memory_space<semaphore_mem>>) src(%dma_wait3A_77 : memref<100x256xf32, #tpu.memory_space<hbm>>) dst(%arg5 : memref<100x256xf32, #tpu.memory_space<vmem>>)
      tpu.yield
    }) : () -> ()
    %scan3A = arith.constant 0 : i32
    %scan3A_22 = arith.constant 0 : i32
    %scan3A_23 = arith.constant 32 : i32
    %scan3A_24 = arith.addi %scan3A_22, %scan3A_23 : i32
    %scan3A_25 = arith.constant 1 : i32
    %scan3A_26 = scf.for %scan3A_63 = %scan3A_22 to %scan3A_24 step %scan3A_25 iter_args(%scan3A_64 = %scan3A) -> (i32)  : i32 {
      %mul3A_65 = arith.constant 16 : i32
      %mul3A_66 = arith.muli %scan3A_63, %mul3A_65 : i32
      %get3A = arith.index_cast %mul3A_66 : i32 to index
      %get3A_67 = tpu.vector_load %arg6[%get3A] {strides = array<i32>} : memref<512xi32, #tpu.memory_space<vmem>>, vector<16xi32>,
      %get3A_68 = vector.shape_cast %get3A_67 : vector<16xi32> to vector<16xi32>
      %slice3A = vector.extract_strided_slice %get3A_68 {offsets = [0], sizes = [1], strides = [1]} : vector<16xi32> to vector<1xi32>
      %squeeze3A = vector.extract %slice3A[0] : i32 from vector<1xi32>
      %mul3A_69 = arith.constant 16 : i32
      %mul3A_70 = arith.muli %scan3A_63, %mul3A_69 : i32
      %add3A_71 = arith.addi %mul3A_2, %mul3A_70 : i32
      %add3A_72 = arith.constant 0 : i32
      %add3A_73 = arith.addi %add3A_71, %add3A_72 : i32
      %dma_start3A = arith.constant 0 : i32
      %dma_start3A_74 = arith.constant 0 : i32
      %dma_start3A_75 = tpu.memref_slice %arg5[%squeeze3A, %dma_start3A_74] : memref<100x256xf32, #tpu.memory_space<vmem>> -> memref<1x256xf32, #tpu.memory_space<vmem>>
      %dma_start3A_76 = tpu.memref_squeeze %dma_start3A_75 : memref<1x256xf32, #tpu.memory_space<vmem>> -> memref<256xf32, #tpu.memory_space<vmem>>
      %dma_start3A_77 = arith.constant 0 : i32
      %dma_start3A_78 = tpu.memref_slice %arg4[%add3A_73, %dma_start3A, %dma_start3A_77] : memref<16384x1x256xf32, #tpu.memory_space<hbm>> -> memref<1x1x256xf32, #tpu.memory_space<hbm>>
      %dma_start3A_79 = tpu.memref_squeeze %dma_start3A_78 : memref<1x1x256xf32, #tpu.memory_space<hbm>> -> memref<256xf32, #tpu.memory_space<hbm>>
      %dma_start3A_80 = arith.constant 0 : i32
      %dma_start3A_81 = tpu.memref_slice %arg4[%add3A_73, %dma_start3A, %dma_start3A_80] : memref<16384x1x256xf32, #tpu.memory_space<hbm>> -> memref<1x1x256xf32, #tpu.memory_space<hbm>>
      %dma_start3A_82 = tpu.memref_squeeze %dma_start3A_81 : memref<1x1x256xf32, #tpu.memory_space<hbm>> -> memref<256xf32, #tpu.memory_space<hbm>>
      %dma_start3A_83 = arith.constant 0 : i32
      %dma_start3A_84 = tpu.memref_slice %arg5[%squeeze3A, %dma_start3A_83] : memref<100x256xf32, #tpu.memory_space<vmem>> -> memref<1x256xf32, #tpu.memory_space<vmem>>
      %dma_start3A_85 = tpu.memref_squeeze %dma_start3A_84 : memref<1x256xf32, #tpu.memory_space<vmem>> -> memref<256xf32, #tpu.memory_space<vmem>>
      tpu.enqueue_dma source(%dma_start3A_85 : memref<256xf32, #tpu.memory_space<vmem>>) target(%dma_start3A_82 : memref<256xf32, #tpu.memory_space<hbm>>) target_semaphore(%arg8 : memref<!tpu.dma_semaphore, #tpu.memory_space<semaphore_mem>>)
      %slice3A_86 = vector.extract_strided_slice %get3A_68 {offsets = [1], sizes = [1], strides = [1]} : vector<16xi32> to vector<1xi32>
      %squeeze3A_87 = vector.extract %slice3A_86[0] : i32 from vector<1xi32>
      %mul3A_88 = arith.constant 16 : i32
      %mul3A_89 = arith.muli %scan3A_63, %mul3A_88 : i32
      %add3A_90 = arith.addi %mul3A_2, %mul3A_89 : i32
      %add3A_91 = arith.constant 1 : i32
      %add3A_92 = arith.addi %add3A_90, %add3A_91 : i32
      %dma_start3A_93 = arith.constant 0 : i32
      %dma_start3A_94 = arith.constant 0 : i32
      %dma_start3A_95 = tpu.memref_slice %arg5[%squeeze3A_87, %dma_start3A_94] : memref<100x256xf32, #tpu.memory_space<vmem>> -> memref<1x256xf32, #tpu.memory_space<vmem>>
      %dma_start3A_96 = tpu.memref_squeeze %dma_start3A_95 : memref<1x256xf32, #tpu.memory_space<vmem>> -> memref<256xf32, #tpu.memory_space<vmem>>
      %dma_start3A_97 = arith.constant 0 : i32
      %dma_start3A_98 = tpu.memref_slice %arg4[%add3A_92, %dma_start3A_93, %dma_start3A_97] : memref<16384x1x256xf32, #tpu.memory_space<hbm>> -> memref<1x1x256xf32, #tpu.memory_space<hbm>>
      %dma_start3A_99 = tpu.memref_squeeze %dma_start3A_98 : memref<1x1x256xf32, #tpu.memory_space<hbm>> -> memref<256xf32, #tpu.memory_space<hbm>>
      %dma_start3A_100 = arith.constant 0 : i32
      %dma_start3A_101 = tpu.memref_slice %arg4[%add3A_92, %dma_start3A_93, %dma_start3A_100] : memref<16384x1x256xf32, #tpu.memory_space<hbm>> -> memref<1x1x256xf32, #tpu.memory_space<hbm>>
      %dma_start3A_102 = tpu.memref_squeeze %dma_start3A_101 : memref<1x1x256xf32, #tpu.memory_space<hbm>> -> memref<256xf32, #tpu.memory_space<hbm>>
      %dma_start3A_103 = arith.constant 0 : i32
      %dma_start3A_104 = tpu.memref_slice %arg5[%squeeze3A_87, %dma_start3A_103] : memref<100x256xf32, #tpu.memory_space<vmem>> -> memref<1x256xf32, #tpu.memory_space<vmem>>
      %dma_start3A_105 = tpu.memref_squeeze %dma_start3A_104 : memref<1x256xf32, #tpu.memory_space<vmem>> -> memref<256xf32, #tpu.memory_space<vmem>>
      tpu.enqueue_dma source(%dma_start3A_105 : memref<256xf32, #tpu.memory_space<vmem>>) target(%dma_start3A_102 : memref<256xf32, #tpu.memory_space<hbm>>) target_semaphore(%arg8 : memref<!tpu.dma_semaphore, #tpu.memory_space<semaphore_mem>>)
      %slice3A_106 = vector.extract_strided_slice %get3A_68 {offsets = [2], sizes = [1], strides = [1]} : vector<16xi32> to vector<1xi32>
      %squeeze3A_107 = vector.extract %slice3A_106[0] : i32 from vector<1xi32>
      %mul3A_108 = arith.constant 16 : i32
      %mul3A_109 = arith.muli %scan3A_63, %mul3A_108 : i32
      %add3A_110 = arith.addi %mul3A_2, %mul3A_109 : i32
      %add3A_111 = arith.constant 2 : i32
      %add3A_112 = arith.addi %add3A_110, %add3A_111 : i32
      %dma_start3A_113 = arith.constant 0 : i32
      %dma_start3A_114 = arith.constant 0 : i32
      %dma_start3A_115 = tpu.memref_slice %arg5[%squeeze3A_107, %dma_start3A_114] : memref<100x256xf32, #tpu.memory_space<vmem>> -> memref<1x256xf32, #tpu.memory_space<vmem>>
      %dma_start3A_116 = tpu.memref_squeeze %dma_start3A_115 : memref<1x256xf32, #tpu.memory_space<vmem>> -> memref<256xf32, #tpu.memory_space<vmem>>
      %dma_start3A_117 = arith.constant 0 : i32
      %dma_start3A_118 = tpu.memref_slice %arg4[%add3A_112, %dma_start3A_113, %dma_start3A_117] : memref<16384x1x256xf32, #tpu.memory_space<hbm>> -> memref<1x1x256xf32, #tpu.memory_space<hbm>>
      %dma_start3A_119 = tpu.memref_squeeze %dma_start3A_118 : memref<1x1x256xf32, #tpu.memory_space<hbm>> -> memref<256xf32, #tpu.memory_space<hbm>>
      %dma_start3A_120 = arith.constant 0 : i32
      %dma_start3A_121 = tpu.memref_slice %arg4[%add3A_112, %dma_start3A_113, %dma_start3A_120] : memref<16384x1x256xf32, #tpu.memory_space<hbm>> -> memref<1x1x256xf32, #tpu.memory_space<hbm>>
      %dma_start3A_122 = tpu.memref_squeeze %dma_start3A_121 : memref<1x1x256xf32, #tpu.memory_space<hbm>> -> memref<256xf32, #tpu.memory_space<hbm>>
      %dma_start3A_123 = arith.constant 0 : i32
      %dma_start3A_124 = tpu.memref_slice %arg5[%squeeze3A_107, %dma_start3A_123] : memref<100x256xf32, #tpu.memory_space<vmem>> -> memref<1x256xf32, #tpu.memory_space<vmem>>
      %dma_start3A_125 = tpu.memref_squeeze %dma_start3A_124 : memref<1x256xf32, #tpu.memory_space<vmem>> -> memref<256xf32, #tpu.memory_space<vmem>>
      tpu.enqueue_dma source(%dma_start3A_125 : memref<256xf32, #tpu.memory_space<vmem>>) target(%dma_start3A_122 : memref<256xf32, #tpu.memory_space<hbm>>) target_semaphore(%arg8 : memref<!tpu.dma_semaphore, #tpu.memory_space<semaphore_mem>>)
      %slice3A_126 = vector.extract_strided_slice %get3A_68 {offsets = [3], sizes = [1], strides = [1]} : vector<16xi32> to vector<1xi32>
      %squeeze3A_127 = vector.extract %slice3A_126[0] : i32 from vector<1xi32>
      %mul3A_128 = arith.constant 16 : i32
      %mul3A_129 = arith.muli %scan3A_63, %mul3A_128 : i32
      %add3A_130 = arith.addi %mul3A_2, %mul3A_129 : i32
      %add3A_131 = arith.constant 3 : i32
      %add3A_132 = arith.addi %add3A_130, %add3A_131 : i32
      %dma_start3A_133 = arith.constant 0 : i32
      %dma_start3A_134 = arith.constant 0 : i32
      %dma_start3A_135 = tpu.memref_slice %arg5[%squeeze3A_127, %dma_start3A_134] : memref<100x256xf32, #tpu.memory_space<vmem>> -> memref<1x256xf32, #tpu.memory_space<vmem>>
      %dma_start3A_136 = tpu.memref_squeeze %dma_start3A_135 : memref<1x256xf32, #tpu.memory_space<vmem>> -> memref<256xf32, #tpu.memory_space<vmem>>
      %dma_start3A_137 = arith.constant 0 : i32
      %dma_start3A_138 = tpu.memref_slice %arg4[%add3A_132, %dma_start3A_133, %dma_start3A_137] : memref<16384x1x256xf32, #tpu.memory_space<hbm>> -> memref<1x1x256xf32, #tpu.memory_space<hbm>>
      %dma_start3A_139 = tpu.memref_squeeze %dma_start3A_138 : memref<1x1x256xf32, #tpu.memory_space<hbm>> -> memref<256xf32, #tpu.memory_space<hbm>>
      %dma_start3A_140 = arith.constant 0 : i32
      %dma_start3A_141 = tpu.memref_slice %arg4[%add3A_132, %dma_start3A_133, %dma_start3A_140] : memref<16384x1x256xf32, #tpu.memory_space<hbm>> -> memref<1x1x256xf32, #tpu.memory_space<hbm>>
      %dma_start3A_142 = tpu.memref_squeeze %dma_start3A_141 : memref<1x1x256xf32, #tpu.memory_space<hbm>> -> memref<256xf32, #tpu.memory_space<hbm>>
      %dma_start3A_143 = arith.constant 0 : i32
      %dma_start3A_144 = tpu.memref_slice %arg5[%squeeze3A_127, %dma_start3A_143] : memref<100x256xf32, #tpu.memory_space<vmem>> -> memref<1x256xf32, #tpu.memory_space<vmem>>
      %dma_start3A_145 = tpu.memref_squeeze %dma_start3A_144 : memref<1x256xf32, #tpu.memory_space<vmem>> -> memref<256xf32, #tpu.memory_space<vmem>>
      tpu.enqueue_dma source(%dma_start3A_145 : memref<256xf32, #tpu.memory_space<vmem>>) target(%dma_start3A_142 : memref<256xf32, #tpu.memory_space<hbm>>) target_semaphore(%arg8 : memref<!tpu.dma_semaphore, #tpu.memory_space<semaphore_mem>>)
      %slice3A_146 = vector.extract_strided_slice %get3A_68 {offsets = [4], sizes = [1], strides = [1]} : vector<16xi32> to vector<1xi32>
      %squeeze3A_147 = vector.extract %slice3A_146[0] : i32 from vector<1xi32>
      %mul3A_148 = arith.constant 16 : i32
      %mul3A_149 = arith.muli %scan3A_63, %mul3A_148 : i32
      %add3A_150 = arith.addi %mul3A_2, %mul3A_149 : i32
      %add3A_151 = arith.constant 4 : i32
      %add3A_152 = arith.addi %add3A_150, %add3A_151 : i32
      %dma_start3A_153 = arith.constant 0 : i32
      %dma_start3A_154 = arith.constant 0 : i32
      %dma_start3A_155 = tpu.memref_slice %arg5[%squeeze3A_147, %dma_start3A_154] : memref<100x256xf32, #tpu.memory_space<vmem>> -> memref<1x256xf32, #tpu.memory_space<vmem>>
      %dma_start3A_156 = tpu.memref_squeeze %dma_start3A_155 : memref<1x256xf32, #tpu.memory_space<vmem>> -> memref<256xf32, #tpu.memory_space<vmem>>
      %dma_start3A_157 = arith.constant 0 : i32
      %dma_start3A_158 = tpu.memref_slice %arg4[%add3A_152, %dma_start3A_153, %dma_start3A_157] : memref<16384x1x256xf32, #tpu.memory_space<hbm>> -> memref<1x1x256xf32, #tpu.memory_space<hbm>>
      %dma_start3A_159 = tpu.memref_squeeze %dma_start3A_158 : memref<1x1x256xf32, #tpu.memory_space<hbm>> -> memref<256xf32, #tpu.memory_space<hbm>>
      %dma_start3A_160 = arith.constant 0 : i32
      %dma_start3A_161 = tpu.memref_slice %arg4[%add3A_152, %dma_start3A_153, %dma_start3A_160] : memref<16384x1x256xf32, #tpu.memory_space<hbm>> -> memref<1x1x256xf32, #tpu.memory_space<hbm>>
      %dma_start3A_162 = tpu.memref_squeeze %dma_start3A_161 : memref<1x1x256xf32, #tpu.memory_space<hbm>> -> memref<256xf32, #tpu.memory_space<hbm>>
      %dma_start3A_163 = arith.constant 0 : i32
      %dma_start3A_164 = tpu.memref_slice %arg5[%squeeze3A_147, %dma_start3A_163] : memref<100x256xf32, #tpu.memory_space<vmem>> -> memref<1x256xf32, #tpu.memory_space<vmem>>
      %dma_start3A_165 = tpu.memref_squeeze %dma_start3A_164 : memref<1x256xf32, #tpu.memory_space<vmem>> -> memref<256xf32, #tpu.memory_space<vmem>>
      tpu.enqueue_dma source(%dma_start3A_165 : memref<256xf32, #tpu.memory_space<vmem>>) target(%dma_start3A_162 : memref<256xf32, #tpu.memory_space<hbm>>) target_semaphore(%arg8 : memref<!tpu.dma_semaphore, #tpu.memory_space<semaphore_mem>>)
      %slice3A_166 = vector.extract_strided_slice %get3A_68 {offsets = [5], sizes = [1], strides = [1]} : vector<16xi32> to vector<1xi32>
      %squeeze3A_167 = vector.extract %slice3A_166[0] : i32 from vector<1xi32>
      %mul3A_168 = arith.constant 16 : i32
      %mul3A_169 = arith.muli %scan3A_63, %mul3A_168 : i32
      %add3A_170 = arith.addi %mul3A_2, %mul3A_169 : i32
      %add3A_171 = arith.constant 5 : i32
      %add3A_172 = arith.addi %add3A_170, %add3A_171 : i32
      %dma_start3A_173 = arith.constant 0 : i32
      %dma_start3A_174 = arith.constant 0 : i32
      %dma_start3A_175 = tpu.memref_slice %arg5[%squeeze3A_167, %dma_start3A_174] : memref<100x256xf32, #tpu.memory_space<vmem>> -> memref<1x256xf32, #tpu.memory_space<vmem>>
      %dma_start3A_176 = tpu.memref_squeeze %dma_start3A_175 : memref<1x256xf32, #tpu.memory_space<vmem>> -> memref<256xf32, #tpu.memory_space<vmem>>
      %dma_start3A_177 = arith.constant 0 : i32
      %dma_start3A_178 = tpu.memref_slice %arg4[%add3A_172, %dma_start3A_173, %dma_start3A_177] : memref<16384x1x256xf32, #tpu.memory_space<hbm>> -> memref<1x1x256xf32, #tpu.memory_space<hbm>>
      %dma_start3A_179 = tpu.memref_squeeze %dma_start3A_178 : memref<1x1x256xf32, #tpu.memory_space<hbm>> -> memref<256xf32, #tpu.memory_space<hbm>>
      %dma_start3A_180 = arith.constant 0 : i32
      %dma_start3A_181 = tpu.memref_slice %arg4[%add3A_172, %dma_start3A_173, %dma_start3A_180] : memref<16384x1x256xf32, #tpu.memory_space<hbm>> -> memref<1x1x256xf32, #tpu.memory_space<hbm>>
      %dma_start3A_182 = tpu.memref_squeeze %dma_start3A_181 : memref<1x1x256xf32, #tpu.memory_space<hbm>> -> memref<256xf32, #tpu.memory_space<hbm>>
      %dma_start3A_183 = arith.constant 0 : i32
      %dma_start3A_184 = tpu.memref_slice %arg5[%squeeze3A_167, %dma_start3A_183] : memref<100x256xf32, #tpu.memory_space<vmem>> -> memref<1x256xf32, #tpu.memory_space<vmem>>
      %dma_start3A_185 = tpu.memref_squeeze %dma_start3A_184 : memref<1x256xf32, #tpu.memory_space<vmem>> -> memref<256xf32, #tpu.memory_space<vmem>>
      tpu.enqueue_dma source(%dma_start3A_185 : memref<256xf32, #tpu.memory_space<vmem>>) target(%dma_start3A_182 : memref<256xf32, #tpu.memory_space<hbm>>) target_semaphore(%arg8 : memref<!tpu.dma_semaphore, #tpu.memory_space<semaphore_mem>>)
      %slice3A_186 = vector.extract_strided_slice %get3A_68 {offsets = [6], sizes = [1], strides = [1]} : vector<16xi32> to vector<1xi32>
      %squeeze3A_187 = vector.extract %slice3A_186[0] : i32 from vector<1xi32>
      %mul3A_188 = arith.constant 16 : i32
      %mul3A_189 = arith.muli %scan3A_63, %mul3A_188 : i32
      %add3A_190 = arith.addi %mul3A_2, %mul3A_189 : i32
      %add3A_191 = arith.constant 6 : i32
      %add3A_192 = arith.addi %add3A_190, %add3A_191 : i32
      %dma_start3A_193 = arith.constant 0 : i32
      %dma_start3A_194 = arith.constant 0 : i32
      %dma_start3A_195 = tpu.memref_slice %arg5[%squeeze3A_187, %dma_start3A_194] : memref<100x256xf32, #tpu.memory_space<vmem>> -> memref<1x256xf32, #tpu.memory_space<vmem>>
      %dma_start3A_196 = tpu.memref_squeeze %dma_start3A_195 : memref<1x256xf32, #tpu.memory_space<vmem>> -> memref<256xf32, #tpu.memory_space<vmem>>
      %dma_start3A_197 = arith.constant 0 : i32
      %dma_start3A_198 = tpu.memref_slice %arg4[%add3A_192, %dma_start3A_193, %dma_start3A_197] : memref<16384x1x256xf32, #tpu.memory_space<hbm>> -> memref<1x1x256xf32, #tpu.memory_space<hbm>>
      %dma_start3A_199 = tpu.memref_squeeze %dma_start3A_198 : memref<1x1x256xf32, #tpu.memory_space<hbm>> -> memref<256xf32, #tpu.memory_space<hbm>>
      %dma_start3A_200 = arith.constant 0 : i32
      %dma_start3A_201 = tpu.memref_slice %arg4[%add3A_192, %dma_start3A_193, %dma_start3A_200] : memref<16384x1x256xf32, #tpu.memory_space<hbm>> -> memref<1x1x256xf32, #tpu.memory_space<hbm>>
      %dma_start3A_202 = tpu.memref_squeeze %dma_start3A_201 : memref<1x1x256xf32, #tpu.memory_space<hbm>> -> memref<256xf32, #tpu.memory_space<hbm>>
      %dma_start3A_203 = arith.constant 0 : i32
      %dma_start3A_204 = tpu.memref_slice %arg5[%squeeze3A_187, %dma_start3A_203] : memref<100x256xf32, #tpu.memory_space<vmem>> -> memref<1x256xf32, #tpu.memory_space<vmem>>
      %dma_start3A_205 = tpu.memref_squeeze %dma_start3A_204 : memref<1x256xf32, #tpu.memory_space<vmem>> -> memref<256xf32, #tpu.memory_space<vmem>>
      tpu.enqueue_dma source(%dma_start3A_205 : memref<256xf32, #tpu.memory_space<vmem>>) target(%dma_start3A_202 : memref<256xf32, #tpu.memory_space<hbm>>) target_semaphore(%arg8 : memref<!tpu.dma_semaphore, #tpu.memory_space<semaphore_mem>>)
      %slice3A_206 = vector.extract_strided_slice %get3A_68 {offsets = [7], sizes = [1], strides = [1]} : vector<16xi32> to vector<1xi32>
      %squeeze3A_207 = vector.extract %slice3A_206[0] : i32 from vector<1xi32>
      %mul3A_208 = arith.constant 16 : i32
      %mul3A_209 = arith.muli %scan3A_63, %mul3A_208 : i32
      %add3A_210 = arith.addi %mul3A_2, %mul3A_209 : i32
      %add3A_211 = arith.constant 7 : i32
      %add3A_212 = arith.addi %add3A_210, %add3A_211 : i32
      %dma_start3A_213 = arith.constant 0 : i32
      %dma_start3A_214 = arith.constant 0 : i32
      %dma_start3A_215 = tpu.memref_slice %arg5[%squeeze3A_207, %dma_start3A_214] : memref<100x256xf32, #tpu.memory_space<vmem>> -> memref<1x256xf32, #tpu.memory_space<vmem>>
      %dma_start3A_216 = tpu.memref_squeeze %dma_start3A_215 : memref<1x256xf32, #tpu.memory_space<vmem>> -> memref<256xf32, #tpu.memory_space<vmem>>
      %dma_start3A_217 = arith.constant 0 : i32
      %dma_start3A_218 = tpu.memref_slice %arg4[%add3A_212, %dma_start3A_213, %dma_start3A_217] : memref<16384x1x256xf32, #tpu.memory_space<hbm>> -> memref<1x1x256xf32, #tpu.memory_space<hbm>>
      %dma_start3A_219 = tpu.memref_squeeze %dma_start3A_218 : memref<1x1x256xf32, #tpu.memory_space<hbm>> -> memref<256xf32, #tpu.memory_space<hbm>>
      %dma_start3A_220 = arith.constant 0 : i32
      %dma_start3A_221 = tpu.memref_slice %arg4[%add3A_212, %dma_start3A_213, %dma_start3A_220] : memref<16384x1x256xf32, #tpu.memory_space<hbm>> -> memref<1x1x256xf32, #tpu.memory_space<hbm>>
      %dma_start3A_222 = tpu.memref_squeeze %dma_start3A_221 : memref<1x1x256xf32, #tpu.memory_space<hbm>> -> memref<256xf32, #tpu.memory_space<hbm>>
      %dma_start3A_223 = arith.constant 0 : i32
      %dma_start3A_224 = tpu.memref_slice %arg5[%squeeze3A_207, %dma_start3A_223] : memref<100x256xf32, #tpu.memory_space<vmem>> -> memref<1x256xf32, #tpu.memory_space<vmem>>
      %dma_start3A_225 = tpu.memref_squeeze %dma_start3A_224 : memref<1x256xf32, #tpu.memory_space<vmem>> -> memref<256xf32, #tpu.memory_space<vmem>>
      tpu.enqueue_dma source(%dma_start3A_225 : memref<256xf32, #tpu.memory_space<vmem>>) target(%dma_start3A_222 : memref<256xf32, #tpu.memory_space<hbm>>) target_semaphore(%arg8 : memref<!tpu.dma_semaphore, #tpu.memory_space<semaphore_mem>>)
      %slice3A_226 = vector.extract_strided_slice %get3A_68 {offsets = [8], sizes = [1], strides = [1]} : vector<16xi32> to vector<1xi32>
      %squeeze3A_227 = vector.extract %slice3A_226[0] : i32 from vector<1xi32>
      %mul3A_228 = arith.constant 16 : i32
      %mul3A_229 = arith.muli %scan3A_63, %mul3A_228 : i32
      %add3A_230 = arith.addi %mul3A_2, %mul3A_229 : i32
      %add3A_231 = arith.constant 8 : i32
      %add3A_232 = arith.addi %add3A_230, %add3A_231 : i32
      %dma_start3A_233 = arith.constant 0 : i32
      %dma_start3A_234 = arith.constant 0 : i32
      %dma_start3A_235 = tpu.memref_slice %arg5[%squeeze3A_227, %dma_start3A_234] : memref<100x256xf32, #tpu.memory_space<vmem>> -> memref<1x256xf32, #tpu.memory_space<vmem>>
      %dma_start3A_236 = tpu.memref_squeeze %dma_start3A_235 : memref<1x256xf32, #tpu.memory_space<vmem>> -> memref<256xf32, #tpu.memory_space<vmem>>
      %dma_start3A_237 = arith.constant 0 : i32
      %dma_start3A_238 = tpu.memref_slice %arg4[%add3A_232, %dma_start3A_233, %dma_start3A_237] : memref<16384x1x256xf32, #tpu.memory_space<hbm>> -> memref<1x1x256xf32, #tpu.memory_space<hbm>>
      %dma_start3A_239 = tpu.memref_squeeze %dma_start3A_238 : memref<1x1x256xf32, #tpu.memory_space<hbm>> -> memref<256xf32, #tpu.memory_space<hbm>>
      %dma_start3A_240 = arith.constant 0 : i32
      %dma_start3A_241 = tpu.memref_slice %arg4[%add3A_232, %dma_start3A_233, %dma_start3A_240] : memref<16384x1x256xf32, #tpu.memory_space<hbm>> -> memref<1x1x256xf32, #tpu.memory_space<hbm>>
      %dma_start3A_242 = tpu.memref_squeeze %dma_start3A_241 : memref<1x1x256xf32, #tpu.memory_space<hbm>> -> memref<256xf32, #tpu.memory_space<hbm>>
      %dma_start3A_243 = arith.constant 0 : i32
      %dma_start3A_244 = tpu.memref_slice %arg5[%squeeze3A_227, %dma_start3A_243] : memref<100x256xf32, #tpu.memory_space<vmem>> -> memref<1x256xf32, #tpu.memory_space<vmem>>
      %dma_start3A_245 = tpu.memref_squeeze %dma_start3A_244 : memref<1x256xf32, #tpu.memory_space<vmem>> -> memref<256xf32, #tpu.memory_space<vmem>>
      tpu.enqueue_dma source(%dma_start3A_245 : memref<256xf32, #tpu.memory_space<vmem>>) target(%dma_start3A_242 : memref<256xf32, #tpu.memory_space<hbm>>) target_semaphore(%arg8 : memref<!tpu.dma_semaphore, #tpu.memory_space<semaphore_mem>>)
      %slice3A_246 = vector.extract_strided_slice %get3A_68 {offsets = [9], sizes = [1], strides = [1]} : vector<16xi32> to vector<1xi32>
      %squeeze3A_247 = vector.extract %slice3A_246[0] : i32 from vector<1xi32>
      %mul3A_248 = arith.constant 16 : i32
      %mul3A_249 = arith.muli %scan3A_63, %mul3A_248 : i32
      %add3A_250 = arith.addi %mul3A_2, %mul3A_249 : i32
      %add3A_251 = arith.constant 9 : i32
      %add3A_252 = arith.addi %add3A_250, %add3A_251 : i32
      %dma_start3A_253 = arith.constant 0 : i32
      %dma_start3A_254 = arith.constant 0 : i32
      %dma_start3A_255 = tpu.memref_slice %arg5[%squeeze3A_247, %dma_start3A_254] : memref<100x256xf32, #tpu.memory_space<vmem>> -> memref<1x256xf32, #tpu.memory_space<vmem>>
      %dma_start3A_256 = tpu.memref_squeeze %dma_start3A_255 : memref<1x256xf32, #tpu.memory_space<vmem>> -> memref<256xf32, #tpu.memory_space<vmem>>
      %dma_start3A_257 = arith.constant 0 : i32
      %dma_start3A_258 = tpu.memref_slice %arg4[%add3A_252, %dma_start3A_253, %dma_start3A_257] : memref<16384x1x256xf32, #tpu.memory_space<hbm>> -> memref<1x1x256xf32, #tpu.memory_space<hbm>>
      %dma_start3A_259 = tpu.memref_squeeze %dma_start3A_258 : memref<1x1x256xf32, #tpu.memory_space<hbm>> -> memref<256xf32, #tpu.memory_space<hbm>>
      %dma_start3A_260 = arith.constant 0 : i32
      %dma_start3A_261 = tpu.memref_slice %arg4[%add3A_252, %dma_start3A_253, %dma_start3A_260] : memref<16384x1x256xf32, #tpu.memory_space<hbm>> -> memref<1x1x256xf32, #tpu.memory_space<hbm>>
      %dma_start3A_262 = tpu.memref_squeeze %dma_start3A_261 : memref<1x1x256xf32, #tpu.memory_space<hbm>> -> memref<256xf32, #tpu.memory_space<hbm>>
      %dma_start3A_263 = arith.constant 0 : i32
      %dma_start3A_264 = tpu.memref_slice %arg5[%squeeze3A_247, %dma_start3A_263] : memref<100x256xf32, #tpu.memory_space<vmem>> -> memref<1x256xf32, #tpu.memory_space<vmem>>
      %dma_start3A_265 = tpu.memref_squeeze %dma_start3A_264 : memref<1x256xf32, #tpu.memory_space<vmem>> -> memref<256xf32, #tpu.memory_space<vmem>>
      tpu.enqueue_dma source(%dma_start3A_265 : memref<256xf32, #tpu.memory_space<vmem>>) target(%dma_start3A_262 : memref<256xf32, #tpu.memory_space<hbm>>) target_semaphore(%arg8 : memref<!tpu.dma_semaphore, #tpu.memory_space<semaphore_mem>>)
      %slice3A_266 = vector.extract_strided_slice %get3A_68 {offsets = [10], sizes = [1], strides = [1]} : vector<16xi32> to vector<1xi32>
      %squeeze3A_267 = vector.extract %slice3A_266[0] : i32 from vector<1xi32>
      %mul3A_268 = arith.constant 16 : i32
      %mul3A_269 = arith.muli %scan3A_63, %mul3A_268 : i32
      %add3A_270 = arith.addi %mul3A_2, %mul3A_269 : i32
      %add3A_271 = arith.constant 10 : i32
      %add3A_272 = arith.addi %add3A_270, %add3A_271 : i32
      %dma_start3A_273 = arith.constant 0 : i32
      %dma_start3A_274 = arith.constant 0 : i32
      %dma_start3A_275 = tpu.memref_slice %arg5[%squeeze3A_267, %dma_start3A_274] : memref<100x256xf32, #tpu.memory_space<vmem>> -> memref<1x256xf32, #tpu.memory_space<vmem>>
      %dma_start3A_276 = tpu.memref_squeeze %dma_start3A_275 : memref<1x256xf32, #tpu.memory_space<vmem>> -> memref<256xf32, #tpu.memory_space<vmem>>
      %dma_start3A_277 = arith.constant 0 : i32
      %dma_start3A_278 = tpu.memref_slice %arg4[%add3A_272, %dma_start3A_273, %dma_start3A_277] : memref<16384x1x256xf32, #tpu.memory_space<hbm>> -> memref<1x1x256xf32, #tpu.memory_space<hbm>>
      %dma_start3A_279 = tpu.memref_squeeze %dma_start3A_278 : memref<1x1x256xf32, #tpu.memory_space<hbm>> -> memref<256xf32, #tpu.memory_space<hbm>>
      %dma_start3A_280 = arith.constant 0 : i32
      %dma_start3A_281 = tpu.memref_slice %arg4[%add3A_272, %dma_start3A_273, %dma_start3A_280] : memref<16384x1x256xf32, #tpu.memory_space<hbm>> -> memref<1x1x256xf32, #tpu.memory_space<hbm>>
      %dma_start3A_282 = tpu.memref_squeeze %dma_start3A_281 : memref<1x1x256xf32, #tpu.memory_space<hbm>> -> memref<256xf32, #tpu.memory_space<hbm>>
      %dma_start3A_283 = arith.constant 0 : i32
      %dma_start3A_284 = tpu.memref_slice %arg5[%squeeze3A_267, %dma_start3A_283] : memref<100x256xf32, #tpu.memory_space<vmem>> -> memref<1x256xf32, #tpu.memory_space<vmem>>
      %dma_start3A_285 = tpu.memref_squeeze %dma_start3A_284 : memref<1x256xf32, #tpu.memory_space<vmem>> -> memref<256xf32, #tpu.memory_space<vmem>>
      tpu.enqueue_dma source(%dma_start3A_285 : memref<256xf32, #tpu.memory_space<vmem>>) target(%dma_start3A_282 : memref<256xf32, #tpu.memory_space<hbm>>) target_semaphore(%arg8 : memref<!tpu.dma_semaphore, #tpu.memory_space<semaphore_mem>>)
      %slice3A_286 = vector.extract_strided_slice %get3A_68 {offsets = [11], sizes = [1], strides = [1]} : vector<16xi32> to vector<1xi32>
      %squeeze3A_287 = vector.extract %slice3A_286[0] : i32 from vector<1xi32>
      %mul3A_288 = arith.constant 16 : i32
      %mul3A_289 = arith.muli %scan3A_63, %mul3A_288 : i32
      %add3A_290 = arith.addi %mul3A_2, %mul3A_289 : i32
      %add3A_291 = arith.constant 11 : i32
      %add3A_292 = arith.addi %add3A_290, %add3A_291 : i32
      %dma_start3A_293 = arith.constant 0 : i32
      %dma_start3A_294 = arith.constant 0 : i32
      %dma_start3A_295 = tpu.memref_slice %arg5[%squeeze3A_287, %dma_start3A_294] : memref<100x256xf32, #tpu.memory_space<vmem>> -> memref<1x256xf32, #tpu.memory_space<vmem>>
      %dma_start3A_296 = tpu.memref_squeeze %dma_start3A_295 : memref<1x256xf32, #tpu.memory_space<vmem>> -> memref<256xf32, #tpu.memory_space<vmem>>
      %dma_start3A_297 = arith.constant 0 : i32
      %dma_start3A_298 = tpu.memref_slice %arg4[%add3A_292, %dma_start3A_293, %dma_start3A_297] : memref<16384x1x256xf32, #tpu.memory_space<hbm>> -> memref<1x1x256xf32, #tpu.memory_space<hbm>>
      %dma_start3A_299 = tpu.memref_squeeze %dma_start3A_298 : memref<1x1x256xf32, #tpu.memory_space<hbm>> -> memref<256xf32, #tpu.memory_space<hbm>>
      %dma_start3A_300 = arith.constant 0 : i32
      %dma_start3A_301 = tpu.memref_slice %arg4[%add3A_292, %dma_start3A_293, %dma_start3A_300] : memref<16384x1x256xf32, #tpu.memory_space<hbm>> -> memref<1x1x256xf32, #tpu.memory_space<hbm>>
      %dma_start3A_302 = tpu.memref_squeeze %dma_start3A_301 : memref<1x1x256xf32, #tpu.memory_space<hbm>> -> memref<256xf32, #tpu.memory_space<hbm>>
      %dma_start3A_303 = arith.constant 0 : i32
      %dma_start3A_304 = tpu.memref_slice %arg5[%squeeze3A_287, %dma_start3A_303] : memref<100x256xf32, #tpu.memory_space<vmem>> -> memref<1x256xf32, #tpu.memory_space<vmem>>
      %dma_start3A_305 = tpu.memref_squeeze %dma_start3A_304 : memref<1x256xf32, #tpu.memory_space<vmem>> -> memref<256xf32, #tpu.memory_space<vmem>>
      tpu.enqueue_dma source(%dma_start3A_305 : memref<256xf32, #tpu.memory_space<vmem>>) target(%dma_start3A_302 : memref<256xf32, #tpu.memory_space<hbm>>) target_semaphore(%arg8 : memref<!tpu.dma_semaphore, #tpu.memory_space<semaphore_mem>>)
      %slice3A_306 = vector.extract_strided_slice %get3A_68 {offsets = [12], sizes = [1], strides = [1]} : vector<16xi32> to vector<1xi32>
      %squeeze3A_307 = vector.extract %slice3A_306[0] : i32 from vector<1xi32>
      %mul3A_308 = arith.constant 16 : i32
      %mul3A_309 = arith.muli %scan3A_63, %mul3A_308 : i32
      %add3A_310 = arith.addi %mul3A_2, %mul3A_309 : i32
      %add3A_311 = arith.constant 12 : i32
      %add3A_312 = arith.addi %add3A_310, %add3A_311 : i32
      %dma_start3A_313 = arith.constant 0 : i32
      %dma_start3A_314 = arith.constant 0 : i32
      %dma_start3A_315 = tpu.memref_slice %arg5[%squeeze3A_307, %dma_start3A_314] : memref<100x256xf32, #tpu.memory_space<vmem>> -> memref<1x256xf32, #tpu.memory_space<vmem>>
      %dma_start3A_316 = tpu.memref_squeeze %dma_start3A_315 : memref<1x256xf32, #tpu.memory_space<vmem>> -> memref<256xf32, #tpu.memory_space<vmem>>
      %dma_start3A_317 = arith.constant 0 : i32
      %dma_start3A_318 = tpu.memref_slice %arg4[%add3A_312, %dma_start3A_313, %dma_start3A_317] : memref<16384x1x256xf32, #tpu.memory_space<hbm>> -> memref<1x1x256xf32, #tpu.memory_space<hbm>>
      %dma_start3A_319 = tpu.memref_squeeze %dma_start3A_318 : memref<1x1x256xf32, #tpu.memory_space<hbm>> -> memref<256xf32, #tpu.memory_space<hbm>>
      %dma_start3A_320 = arith.constant 0 : i32
      %dma_start3A_321 = tpu.memref_slice %arg4[%add3A_312, %dma_start3A_313, %dma_start3A_320] : memref<16384x1x256xf32, #tpu.memory_space<hbm>> -> memref<1x1x256xf32, #tpu.memory_space<hbm>>
      %dma_start3A_322 = tpu.memref_squeeze %dma_start3A_321 : memref<1x1x256xf32, #tpu.memory_space<hbm>> -> memref<256xf32, #tpu.memory_space<hbm>>
      %dma_start3A_323 = arith.constant 0 : i32
      %dma_start3A_324 = tpu.memref_slice %arg5[%squeeze3A_307, %dma_start3A_323] : memref<100x256xf32, #tpu.memory_space<vmem>> -> memref<1x256xf32, #tpu.memory_space<vmem>>
      %dma_start3A_325 = tpu.memref_squeeze %dma_start3A_324 : memref<1x256xf32, #tpu.memory_space<vmem>> -> memref<256xf32, #tpu.memory_space<vmem>>
      tpu.enqueue_dma source(%dma_start3A_325 : memref<256xf32, #tpu.memory_space<vmem>>) target(%dma_start3A_322 : memref<256xf32, #tpu.memory_space<hbm>>) target_semaphore(%arg8 : memref<!tpu.dma_semaphore, #tpu.memory_space<semaphore_mem>>)
      %slice3A_326 = vector.extract_strided_slice %get3A_68 {offsets = [13], sizes = [1], strides = [1]} : vector<16xi32> to vector<1xi32>
      %squeeze3A_327 = vector.extract %slice3A_326[0] : i32 from vector<1xi32>
      %mul3A_328 = arith.constant 16 : i32
      %mul3A_329 = arith.muli %scan3A_63, %mul3A_328 : i32
      %add3A_330 = arith.addi %mul3A_2, %mul3A_329 : i32
      %add3A_331 = arith.constant 13 : i32
      %add3A_332 = arith.addi %add3A_330, %add3A_331 : i32
      %dma_start3A_333 = arith.constant 0 : i32
      %dma_start3A_334 = arith.constant 0 : i32
      %dma_start3A_335 = tpu.memref_slice %arg5[%squeeze3A_327, %dma_start3A_334] : memref<100x256xf32, #tpu.memory_space<vmem>> -> memref<1x256xf32, #tpu.memory_space<vmem>>
      %dma_start3A_336 = tpu.memref_squeeze %dma_start3A_335 : memref<1x256xf32, #tpu.memory_space<vmem>> -> memref<256xf32, #tpu.memory_space<vmem>>
      %dma_start3A_337 = arith.constant 0 : i32
      %dma_start3A_338 = tpu.memref_slice %arg4[%add3A_332, %dma_start3A_333, %dma_start3A_337] : memref<16384x1x256xf32, #tpu.memory_space<hbm>> -> memref<1x1x256xf32, #tpu.memory_space<hbm>>
      %dma_start3A_339 = tpu.memref_squeeze %dma_start3A_338 : memref<1x1x256xf32, #tpu.memory_space<hbm>> -> memref<256xf32, #tpu.memory_space<hbm>>
      %dma_start3A_340 = arith.constant 0 : i32
      %dma_start3A_341 = tpu.memref_slice %arg4[%add3A_332, %dma_start3A_333, %dma_start3A_340] : memref<16384x1x256xf32, #tpu.memory_space<hbm>> -> memref<1x1x256xf32, #tpu.memory_space<hbm>>
      %dma_start3A_342 = tpu.memref_squeeze %dma_start3A_341 : memref<1x1x256xf32, #tpu.memory_space<hbm>> -> memref<256xf32, #tpu.memory_space<hbm>>
      %dma_start3A_343 = arith.constant 0 : i32
      %dma_start3A_344 = tpu.memref_slice %arg5[%squeeze3A_327, %dma_start3A_343] : memref<100x256xf32, #tpu.memory_space<vmem>> -> memref<1x256xf32, #tpu.memory_space<vmem>>
      %dma_start3A_345 = tpu.memref_squeeze %dma_start3A_344 : memref<1x256xf32, #tpu.memory_space<vmem>> -> memref<256xf32, #tpu.memory_space<vmem>>
      tpu.enqueue_dma source(%dma_start3A_345 : memref<256xf32, #tpu.memory_space<vmem>>) target(%dma_start3A_342 : memref<256xf32, #tpu.memory_space<hbm>>) target_semaphore(%arg8 : memref<!tpu.dma_semaphore, #tpu.memory_space<semaphore_mem>>)
      %slice3A_346 = vector.extract_strided_slice %get3A_68 {offsets = [14], sizes = [1], strides = [1]} : vector<16xi32> to vector<1xi32>
      %squeeze3A_347 = vector.extract %slice3A_346[0] : i32 from vector<1xi32>
      %mul3A_348 = arith.constant 16 : i32
      %mul3A_349 = arith.muli %scan3A_63, %mul3A_348 : i32
      %add3A_350 = arith.addi %mul3A_2, %mul3A_349 : i32
      %add3A_351 = arith.constant 14 : i32
      %add3A_352 = arith.addi %add3A_350, %add3A_351 : i32
      %dma_start3A_353 = arith.constant 0 : i32
      %dma_start3A_354 = arith.constant 0 : i32
      %dma_start3A_355 = tpu.memref_slice %arg5[%squeeze3A_347, %dma_start3A_354] : memref<100x256xf32, #tpu.memory_space<vmem>> -> memref<1x256xf32, #tpu.memory_space<vmem>>
      %dma_start3A_356 = tpu.memref_squeeze %dma_start3A_355 : memref<1x256xf32, #tpu.memory_space<vmem>> -> memref<256xf32, #tpu.memory_space<vmem>>
      %dma_start3A_357 = arith.constant 0 : i32
      %dma_start3A_358 = tpu.memref_slice %arg4[%add3A_352, %dma_start3A_353, %dma_start3A_357] : memref<16384x1x256xf32, #tpu.memory_space<hbm>> -> memref<1x1x256xf32, #tpu.memory_space<hbm>>
      %dma_start3A_359 = tpu.memref_squeeze %dma_start3A_358 : memref<1x1x256xf32, #tpu.memory_space<hbm>> -> memref<256xf32, #tpu.memory_space<hbm>>
      %dma_start3A_360 = arith.constant 0 : i32
      %dma_start3A_361 = tpu.memref_slice %arg4[%add3A_352, %dma_start3A_353, %dma_start3A_360] : memref<16384x1x256xf32, #tpu.memory_space<hbm>> -> memref<1x1x256xf32, #tpu.memory_space<hbm>>
      %dma_start3A_362 = tpu.memref_squeeze %dma_start3A_361 : memref<1x1x256xf32, #tpu.memory_space<hbm>> -> memref<256xf32, #tpu.memory_space<hbm>>
      %dma_start3A_363 = arith.constant 0 : i32
      %dma_start3A_364 = tpu.memref_slice %arg5[%squeeze3A_347, %dma_start3A_363] : memref<100x256xf32, #tpu.memory_space<vmem>> -> memref<1x256xf32, #tpu.memory_space<vmem>>
      %dma_start3A_365 = tpu.memref_squeeze %dma_start3A_364 : memref<1x256xf32, #tpu.memory_space<vmem>> -> memref<256xf32, #tpu.memory_space<vmem>>
      tpu.enqueue_dma source(%dma_start3A_365 : memref<256xf32, #tpu.memory_space<vmem>>) target(%dma_start3A_362 : memref<256xf32, #tpu.memory_space<hbm>>) target_semaphore(%arg8 : memref<!tpu.dma_semaphore, #tpu.memory_space<semaphore_mem>>)
      %slice3A_366 = vector.extract_strided_slice %get3A_68 {offsets = [15], sizes = [1], strides = [1]} : vector<16xi32> to vector<1xi32>
      %squeeze3A_367 = vector.extract %slice3A_366[0] : i32 from vector<1xi32>
      %mul3A_368 = arith.constant 16 : i32
      %mul3A_369 = arith.muli %scan3A_63, %mul3A_368 : i32
      %add3A_370 = arith.addi %mul3A_2, %mul3A_369 : i32
      %add3A_371 = arith.constant 15 : i32
      %add3A_372 = arith.addi %add3A_370, %add3A_371 : i32
      %dma_start3A_373 = arith.constant 0 : i32
      %dma_start3A_374 = arith.constant 0 : i32
      %dma_start3A_375 = tpu.memref_slice %arg5[%squeeze3A_367, %dma_start3A_374] : memref<100x256xf32, #tpu.memory_space<vmem>> -> memref<1x256xf32, #tpu.memory_space<vmem>>
      %dma_start3A_376 = tpu.memref_squeeze %dma_start3A_375 : memref<1x256xf32, #tpu.memory_space<vmem>> -> memref<256xf32, #tpu.memory_space<vmem>>
      %dma_start3A_377 = arith.constant 0 : i32
      %dma_start3A_378 = tpu.memref_slice %arg4[%add3A_372, %dma_start3A_373, %dma_start3A_377] : memref<16384x1x256xf32, #tpu.memory_space<hbm>> -> memref<1x1x256xf32, #tpu.memory_space<hbm>>
      %dma_start3A_379 = tpu.memref_squeeze %dma_start3A_378 : memref<1x1x256xf32, #tpu.memory_space<hbm>> -> memref<256xf32, #tpu.memory_space<hbm>>
      %dma_start3A_380 = arith.constant 0 : i32
      %dma_start3A_381 = tpu.memref_slice %arg4[%add3A_372, %dma_start3A_373, %dma_start3A_380] : memref<16384x1x256xf32, #tpu.memory_space<hbm>> -> memref<1x1x256xf32, #tpu.memory_space<hbm>>
      %dma_start3A_382 = tpu.memref_squeeze %dma_start3A_381 : memref<1x1x256xf32, #tpu.memory_space<hbm>> -> memref<256xf32, #tpu.memory_space<hbm>>
      %dma_start3A_383 = arith.constant 0 : i32
      %dma_start3A_384 = tpu.memref_slice %arg5[%squeeze3A_367, %dma_start3A_383] : memref<100x256xf32, #tpu.memory_space<vmem>> -> memref<1x256xf32, #tpu.memory_space<vmem>>
      %dma_start3A_385 = tpu.memref_squeeze %dma_start3A_384 : memref<1x256xf32, #tpu.memory_space<vmem>> -> memref<256xf32, #tpu.memory_space<vmem>>
      tpu.enqueue_dma source(%dma_start3A_385 : memref<256xf32, #tpu.memory_space<vmem>>) target(%dma_start3A_382 : memref<256xf32, #tpu.memory_space<hbm>>) target_semaphore(%arg8 : memref<!tpu.dma_semaphore, #tpu.memory_space<semaphore_mem>>)
      %scan3A_386 = arith.constant 0 : i32
      scf.yield %scan3A_386 : i32
    }
    %scan3A_27 = arith.constant 32 : i32
    %add3A_28 = arith.constant 0 : i32
    %add3A_29 = arith.addi %mul3A_2, %add3A_28 : i32
    %dma_wait3A = arith.constant 0 : i32
    %dma_wait3A_30 = arith.constant 0 : i32
    %dma_wait3A_31 = tpu.memref_slice %arg4[%add3A_29, %dma_wait3A, %dma_wait3A_30] : memref<16384x1x256xf32, #tpu.memory_space<hbm>> -> memref<128x1x256xf32, #tpu.memory_space<hbm>>
    %dma_wait3A_32 = tpu.memref_squeeze %dma_wait3A_31 : memref<128x1x256xf32, #tpu.memory_space<hbm>> -> memref<128x256xf32, #tpu.memory_space<hbm>>
    %dma_wait3A_33 = arith.constant 0 : i32
    %dma_wait3A_34 = tpu.memref_slice %arg4[%add3A_29, %dma_wait3A, %dma_wait3A_33] : memref<16384x1x256xf32, #tpu.memory_space<hbm>> -> memref<128x1x256xf32, #tpu.memory_space<hbm>>
    %dma_wait3A_35 = tpu.memref_squeeze %dma_wait3A_34 : memref<128x1x256xf32, #tpu.memory_space<hbm>> -> memref<128x256xf32, #tpu.memory_space<hbm>>
    tpu.wait_dma2 semaphore(%arg8 : memref<!tpu.dma_semaphore, #tpu.memory_space<semaphore_mem>>) src(%dma_wait3A_35 : memref<128x256xf32, #tpu.memory_space<hbm>>) dst(%arg7 : memref<128x256xf32, #tpu.memory_space<vmem>>)
    %add3A_36 = arith.constant 128 : i32
    %add3A_37 = arith.addi %mul3A_2, %add3A_36 : i32
    %dma_wait3A_38 = arith.constant 0 : i32
    %dma_wait3A_39 = arith.constant 0 : i32
    %dma_wait3A_40 = tpu.memref_slice %arg4[%add3A_37, %dma_wait3A_38, %dma_wait3A_39] : memref<16384x1x256xf32, #tpu.memory_space<hbm>> -> memref<128x1x256xf32, #tpu.memory_space<hbm>>
    %dma_wait3A_41 = tpu.memref_squeeze %dma_wait3A_40 : memref<128x1x256xf32, #tpu.memory_space<hbm>> -> memref<128x256xf32, #tpu.memory_space<hbm>>
    %dma_wait3A_42 = arith.constant 0 : i32
    %dma_wait3A_43 = tpu.memref_slice %arg4[%add3A_37, %dma_wait3A_38, %dma_wait3A_42] : memref<16384x1x256xf32, #tpu.memory_space<hbm>> -> memref<128x1x256xf32, #tpu.memory_space<hbm>>
    %dma_wait3A_44 = tpu.memref_squeeze %dma_wait3A_43 : memref<128x1x256xf32, #tpu.memory_space<hbm>> -> memref<128x256xf32, #tpu.memory_space<hbm>>
    tpu.wait_dma2 semaphore(%arg8 : memref<!tpu.dma_semaphore, #tpu.memory_space<semaphore_mem>>) src(%dma_wait3A_44 : memref<128x256xf32, #tpu.memory_space<hbm>>) dst(%arg7 : memref<128x256xf32, #tpu.memory_space<vmem>>)
    %add3A_45 = arith.constant 256 : i32
    %add3A_46 = arith.addi %mul3A_2, %add3A_45 : i32
    %dma_wait3A_47 = arith.constant 0 : i32
    %dma_wait3A_48 = arith.constant 0 : i32
    %dma_wait3A_49 = tpu.memref_slice %arg4[%add3A_46, %dma_wait3A_47, %dma_wait3A_48] : memref<16384x1x256xf32, #tpu.memory_space<hbm>> -> memref<128x1x256xf32, #tpu.memory_space<hbm>>
    %dma_wait3A_50 = tpu.memref_squeeze %dma_wait3A_49 : memref<128x1x256xf32, #tpu.memory_space<hbm>> -> memref<128x256xf32, #tpu.memory_space<hbm>>
    %dma_wait3A_51 = arith.constant 0 : i32
    %dma_wait3A_52 = tpu.memref_slice %arg4[%add3A_46, %dma_wait3A_47, %dma_wait3A_51] : memref<16384x1x256xf32, #tpu.memory_space<hbm>> -> memref<128x1x256xf32, #tpu.memory_space<hbm>>
    %dma_wait3A_53 = tpu.memref_squeeze %dma_wait3A_52 : memref<128x1x256xf32, #tpu.memory_space<hbm>> -> memref<128x256xf32, #tpu.memory_space<hbm>>
    tpu.wait_dma2 semaphore(%arg8 : memref<!tpu.dma_semaphore, #tpu.memory_space<semaphore_mem>>) src(%dma_wait3A_53 : memref<128x256xf32, #tpu.memory_space<hbm>>) dst(%arg7 : memref<128x256xf32, #tpu.memory_space<vmem>>)
    %add3A_54 = arith.constant 384 : i32
    %add3A_55 = arith.addi %mul3A_2, %add3A_54 : i32
    %dma_wait3A_56 = arith.constant 0 : i32
    %dma_wait3A_57 = arith.constant 0 : i32
    %dma_wait3A_58 = tpu.memref_slice %arg4[%add3A_55, %dma_wait3A_56, %dma_wait3A_57] : memref<16384x1x256xf32, #tpu.memory_space<hbm>> -> memref<128x1x256xf32, #tpu.memory_space<hbm>>
    %dma_wait3A_59 = tpu.memref_squeeze %dma_wait3A_58 : memref<128x1x256xf32, #tpu.memory_space<hbm>> -> memref<128x256xf32, #tpu.memory_space<hbm>>
    %dma_wait3A_60 = arith.constant 0 : i32
    %dma_wait3A_61 = tpu.memref_slice %arg4[%add3A_55, %dma_wait3A_56, %dma_wait3A_60] : memref<16384x1x256xf32, #tpu.memory_space<hbm>> -> memref<128x1x256xf32, #tpu.memory_space<hbm>>
    %dma_wait3A_62 = tpu.memref_squeeze %dma_wait3A_61 : memref<128x1x256xf32, #tpu.memory_space<hbm>> -> memref<128x256xf32, #tpu.memory_space<hbm>>
    tpu.wait_dma2 semaphore(%arg8 : memref<!tpu.dma_semaphore, #tpu.memory_space<semaphore_mem>>) src(%dma_wait3A_62 : memref<128x256xf32, #tpu.memory_space<hbm>>) dst(%arg7 : memref<128x256xf32, #tpu.memory_space<vmem>>)
    return
  }
}

</mosaic_0001>

<sc_bundles>
// kernel: kernel.3.cloned.1.call-start
scs
__scs_entry_jumppad:
0x0: {  	(pc) =	sbr.rel $0x88, $3  }
0x1: {  	(tag) =	ssettag $0x0;
	lr =	simm.s32 $0x1  }
0x2: {  	[smem:$0x3F9F] =	sst lr;
	_ =	strace $0xD0000000  }
0x3: {  	_ = 	snop  }
0x4: {  	_ = 	snop  }
0x5: {  	_ = 	snop  }
0x6: {  	_ = 	snop  }
0x7: {  	_ = 	snop  }
__scs_overlays_trampoline_lowered:
0x8: {  	[smem:$0x3FAE] =	sst s0  }
0x9: {  	[smem:$0x3FAF] =	sst s1  }
0xa: {  	[smem:$0x3FB0] =	sst s2  }
0xb: {  	[smem:$0x3FB1] =	sst s3  }
0xc: {  	[smem:$0x3FB2] =	sst s4  }
0xd: {  	[smem:$0x3FB3] =	sst s5  }
0xe: {  	[smem:$0x3FB4] =	sst s6  }
0xf: {  	[smem:$0x3FB5] =	sst s7  }
0x10: {  	[smem:$0x3FB6] =	sst s8  }
0x11: {  	[smem:$0x3FB7] =	sst s9;
	s0 =	simm.s32 @!p0 $0x0  }
0x12: {  	s1 =	sld [smem:$0x3F9D];
	s0 =	simm.s32 @p0 $0x1  }
0x13: {  	[smem:$0x3FB8] =	sst s0;
	s0 =	simm.s32 @!p1 $0x0  }
0x14: {  	s2 =	sld [smem:$0x3F9C];
	s0 =	simm.s32 @p1 $0x1  }
0x15: {  	[smem:$0x3FB9] =	sst s0;
	s0 =	simm.s32 @!p2 $0x0  }
0x16: {  	s3 =	sld [smem:$0x3FDB];
	s0 =	simm.s32 @p2 $0x1  }
0x17: {  	s4 =	simm.s32 $0x1BF5;
	[smem:$0x3FBB] =	sst s0  }
0x18: {  	s0 =	sld [smem:$0x3F9E];
	_ =	swait.ge [sflag:s4], $0x0  }
0x19: {  	s7 =	sld [smem:$0x3F9F]  }
0x1a: {  	s8 =	sadd.s32 $0xFFFFE003, lr  }
0x1b: {  	s9 =	sadd.s32 $0xFFFFFEF7, lr;
	s5 =	simm.s32 $0xFFFFFFFF;
	p2 =	slt.u32 s8, $0xFFFFF086  }
0x1c: {  	p1 =	slt.u32 s9, $0xF7A;
	s5 =	simm.s32 @!p2 $0x0  }
0x1d: {  	s5 =	simm.s32 @p1 $0x1;
	p0 =	seq.s32 s7, s2  }
0x1e: {  	s7 =	smul.u32 @!p0 $0xF7A, s2;
	p2 =	seq.s32 @!p0 s5, $0x0  }
0x1f: {  	s9 =	smul.u32 $0xF7A, s1;
	s8 =	simm.s32 @!p0 $0x1BF5;
	p2 =	por !p2, p0  }
0x20: {  	[sflag:s8] =	ssyncset.s32 @!p0 $0xFFFFF086;
	s6 =	sadd.s32 @!p0 s3, s7;
	s7 =	simm.s32 @!p0 $0x108  }
0x21: {  	s3 =	sadd.s32 s3, s9;
	s6 =	sadd.s32 @!p0 $0x88, s6;
	s7 =	simm.s32 @p2 $0x1082  }
0x22: {  	[simem:s7], [sflag:s8] =	dma.local @!p0 [hbm:s6], $0xF7A  }
0x23: {  	s9 =	sor.u32 $0xD0000000, s2;
	s6 =	simm.s32 $0x108;
	_ =	swait.ge @!p0 [sflag:s8], $0x0  }
0x24: {  	s3 =	sadd.s32 $0x88, s3;
	s6 =	simm.s32 @!p1 $0x1082;
	[sflag:s4] =	ssyncset.s32 $0xFFFFF086  }
0x25: {  	[simem:s6], [sflag:s4] =	dma.local [hbm:s3], $0xF7A  }
0x26: {  	[smem:$0x3F9F] =	sst s1;
	(tag) =	ssettag s2;
	_ =	strace s9  }
0x27: {  	s1 =	sld [smem:$0x3FAF]  }
0x28: {  	s2 =	sld [smem:$0x3FB0]  }
0x29: {  	s4 =	sld [smem:$0x3FB2]  }
0x2a: {  	p0 =	seq.s32 s5, $0x0;
	s5 =	sld [smem:$0x3FB3]  }
0x2b: {  	s6 =	sld [smem:$0x3FB4]  }
0x2c: {  	s7 =	sld [smem:$0x3FB5]  }
0x2d: {  	s3 =	simm.s32 $0x108;
	s8 =	sld [smem:$0x3FB6]  }
0x2e: {  	s3 =	simm.s32 @!p0 $0x1082;
	s9 =	sld [smem:$0x3FB7]  }
0x2f: {  	lr =	sadd.s32 s0, s3;
	s0 =	sld [smem:$0x3FAE]  }
0x30: {  	s3 =	sld [smem:$0x3FB1]  }
0x31: {  	[smem:$0x3FBA] =	sst s10  }
0x32: {  	s10 =	sld [smem:$0x3FB8];
	_ =	sdelay $0x3  }
0x33: {  	p0 =	seq.s32 s10, $0x1;
	s10 =	sld [smem:$0x3FBA];
	_ =	sdelay $0x3  }
0x34: {  	[smem:$0x3FBA] =	sst s10  }
0x35: {  	s10 =	sld [smem:$0x3FB9];
	_ =	sdelay $0x3  }
0x36: {  	p1 =	seq.s32 s10, $0x1;
	s10 =	sld [smem:$0x3FBA];
	_ =	sdelay $0x3  }
0x37: {  	[smem:$0x3FBA] =	sst s10  }
0x38: {  	s10 =	sld [smem:$0x3FBB]  }
0x39: {  	_ = 	snop;
	(pc) =	sbr.ind lr, $3  }
0x3a: {  	_ = 	snop  }
0x3b: {  	_ = 	snop  }
0x3c: {  	p2 =	seq.s32 s10, $0x1;
	s10 =	sld [smem:$0x3FBA]  }
0x3d: {  	_ =	shalt  }
0x3e: {  	_ =	shalt  }
0x3f: {  	_ =	shalt  }
0x40: {  	_ =	shalt  }
0x41: {  	_ =	shalt  }
0x42: {  	_ =	shalt  }
0x43: {  	_ =	shalt  }
0x44: {  	_ =	shalt  }
0x45: {  	_ =	shalt  }
0x46: {  	_ =	shalt  }
0x47: {  	_ =	shalt  }
0x48: {  	_ =	shalt  }
0x49: {  	_ =	shalt  }
0x4a: {  	_ =	shalt  }
0x4b: {  	_ =	shalt  }
0x4c: {  	_ =	shalt  }
0x4d: {  	_ =	shalt  }
0x4e: {  	_ =	shalt  }
0x4f: {  	_ =	shalt  }
0x50: {  	_ =	shalt  }
0x51: {  	_ =	shalt  }
0x52: {  	_ =	shalt  }
0x53: {  	_ =	shalt  }
0x54: {  	_ =	shalt  }
0x55: {  	_ =	shalt  }
0x56: {  	_ =	shalt  }
0x57: {  	_ =	shalt  }
0x58: {  	_ =	shalt  }
0x59: {  	_ =	shalt  }
0x5a: {  	_ =	shalt  }
0x5b: {  	_ =	shalt  }
0x5c: {  	_ =	shalt  }
0x5d: {  	_ =	shalt  }
0x5e: {  	_ =	shalt  }
0x5f: {  	_ =	shalt  }
0x60: {  	_ =	shalt  }
0x61: {  	_ =	shalt  }
0x62: {  	_ =	shalt  }
0x63: {  	_ =	shalt  }
0x64: {  	_ =	shalt  }
0x65: {  	_ =	shalt  }
0x66: {  	_ =	shalt  }
0x67: {  	_ =	shalt  }
0x68: {  	_ =	shalt  }
0x69: {  	_ =	shalt  }
0x6a: {  	_ =	shalt  }
0x6b: {  	_ =	shalt  }
0x6c: {  	_ =	shalt  }
0x6d: {  	_ =	shalt  }
0x6e: {  	_ =	shalt  }
0x6f: {  	_ =	shalt  }
0x70: {  	_ =	shalt  }
0x71: {  	_ =	shalt  }
0x72: {  	_ =	shalt  }
0x73: {  	_ =	shalt  }
0x74: {  	_ =	shalt  }
0x75: {  	_ =	shalt  }
0x76: {  	_ =	shalt  }
0x77: {  	_ =	shalt  }
0x78: {  	_ =	shalt  }
0x79: {  	_ =	shalt  }
0x7a: {  	_ =	shalt  }
0x7b: {  	_ =	shalt  }
0x7c: {  	_ =	shalt  }
0x7d: {  	_ =	shalt  }
0x7e: {  	_ =	shalt  }
0x7f: {  	_ =	shalt  }
0x80: {  	_ =	shalt  }
0x81: {  	_ =	shalt  }
0x82: {  	_ =	shalt  }
0x83: {  	_ =	shalt  }
0x84: {  	_ =	shalt  }
0x85: {  	_ =	shalt  }
0x86: {  	_ =	shalt  }
0x87: {  	_ =	shalt  }
.Lfunc_end0:
.L_simem_size_0:
called_computation_lowered:
.L_overlay_start_0:
0x88: {  	s2 =	sld [smem:$0x3FD9]  }
0x89: {  	s3 =	sld [smem:$0x3FFE];
	_ =	sdelay $0x1  }
0x8a: {  	s1 =	srdreg.scid  }
0x8b: {  	s0 =	sand.u32 $0x1, s1  }
0x8c: {  	s17 =	sshll.u32 s0, $0xA;
	s2 =	sadd.s32 s3, s2  }
0x8d: {  	s2 =	sadd.s32 s2, s17  }
0x8e: {  	[smem:$0x3FC6] =	sst s2  }
0x8f: {  	_ = 	snop  }
0x90: {  	s2 =	sld [smem:$0x3FC9]  }
0x91: {  	s18 =	sld [smem:$0x3FD0];
	(tm) =	ssettm $0x1  }
0x92: {  	s4 =	sld [smem:$0x3FFB];
	_ =	sdelay $0x3  }
0x93: {  	_ =	strace s4  }
0x94: {  	s4 =	sld [smem:$0x3FFC];
	_ =	sdelay $0x3  }
0x95: {  	_ =	strace s4  }
0x96: {  	s4 =	sld [smem:$0x3FFD];
	_ =	sdelay $0x3  }
0x97: {  	_ =	strace s4  }
0x98: {  	_ =	strace $0x8FFFFFFF  }
0x99: {  	s19 =	sld [smem:$0x3FDB];
	_ =	sdelay $0x1  }
0x9a: {  	s5 =	simm.s32 $_scs_section_size  }
0x9b: {  	s6 =	simm.s32 $_size__tile_overlayer_lowered;
	s7 =	simm.s32 $_tile_overlayer_lowered  }
0x9c: {  	s22 =	simm.s32 $0x1BFF;
	s21 =	sshll.u32 s7, $0x1;
	s4 =	sadd.s32 s5, s19  }
0x9d: {  	s8 =	simm.s32 $0x0;
	s20 =	sshll.u32 s6, $0x1;
	s6 =	sadd.s32 s21, s4  }
0x9e: {  	[timem:s8], [sflag:s22] =	dma.local [hbm:s6], s20  }
0x9f: {  	_ =	swait.ge [sflag:s22], s20  }
0xa0: {  	s5 =	ssub.s32 $0x0, s20;
	[sflag:s22] =	ssyncset.done $0x0  }
0xa1: {  	[sflag:s22] =	ssyncadd.s32 s5;
	_ =	sdelay $0x1  }
0xa2: {  	s23 =	simm.s32 $0x1B8B  }
0xa3: {  	_ =	swait.ge [sflag:s23], $0x1  }
0xa4: {  	[sflag:s23] =	ssyncset.done $0x0  }
0xa5: {  	s25 =	simm.s32 $0x1B8E;
	s24 =	sld [smem:$0x3FFE];
	[sflag:s23] =	ssyncadd.s32 $0xFFFFFFFF  }
0xa6: {  	s26 =	simm.s32 $execute0_lowered;
	[smem:$0x3FD2] =	sst s25  }
0xa7: {  	s6 =	sshll.u32 s26, $0x1;
	_ =	strace $0x80000046;
	[dreg:$0x1] =	wrdreg $0xFFFFFFFF  }
0xa8: {  	s28 =	simm.s32 $_size_execute0_lowered;
	s4 =	sadd.s32 s4, s6;
	[dreg:$0x0] =	wrdreg $0x0  }
0xa9: {  	s6 =	sshll.u32 s28, $0x1;
	[dreg:$0x2] =	wrdreg s4  }
0xaa: {  	[dreg:$0x3] =	wrdreg s6  }
0xab: {  	[dreg:$0x4] =	wrdreg $0xC0  }
0xac: {  	_ =	task [dreg:s8], $0x5FFFF  }
0xad: {  	[dreg:$0x1] =	wrdreg $0xFFFFFFFF  }
0xae: {  	[dreg:$0x0] =	wrdreg $0x60  }
0xaf: {  	[dreg:$0x2] =	wrdreg s24  }
0xb0: {  	[dreg:$0x3] =	wrdreg s2  }
0xb1: {  	[dreg:$0x4] =	wrdreg s18  }
0xb2: {  	[dreg:$0x5] =	wrdreg $0x9  }
0xb3: {  	_ =	task.clear_ibuf [dreg:s8], $0x6FFFF;
	_ =	strace $0x90000046  }
0xb4: {  	s29 =	simm.s32 $0x9;
	_ =	strace $0x80000048  }
0xb5: {  	_ =	swait.ge [sflag:s29], $0x1  }
0xb6: {  	[sflag:s29] =	ssyncadd.s32 $0xFFFFFFFF  }
0xb7: {  	_ =	strace $0x90000048  }
0xb8: {  	_ =	sfence  }
0xb9: {  	s30 =	sld [smem:$0x0];
	_ =	sdelay $0x2  }
0xba: {  	s31 =	sshll.u32 s1, $0xD;
	s1 =	sshrl.u32 s1, $0x2  }
0xbb: {  	s3 =	sand.u32 $0x4000, s31;
	s1 =	sadd.s32 s1, s30  }
0xbc: {  	s0 =	sor.u32 s3, s0;
	s1 =	sshll.u32 s1, $0x11  }
0xbd: {  	s0 =	sor.u32 s1, s0  }
0xbe: {  	s0 =	sadd.s32 $0x8F2B, s0  }
0xbf: {  	[sflag:s0] =	ssyncadd.remote.s32 $0x1  }
0xc0: {  	_ =	sfence.sel $0xFFFF  }
0xc1: {  	[dreg:$0x0] =	wrdreg $0xFFFFFFFF;
	(pc) =	sbr.abs _section_cstart, $3  }
0xc2: {  	[dreg:$0x1] =	wrdreg $0xFFFFFFFF  }
0xc3: {  	_ =	task.clear_ibuf [dreg:s8], $0x2FFFF;
	_ =	strace $0x9FFFFFFF  }
0xc4: {  	(tm) =	ssettm $0x7FFFFFFF  }
0xc5: {  	_ =	shalt  }
tec
execute0_lowered:
.L_overlay_start_1:
0x0: {  	(tag) =	ssettag $0x1  }
0x1: {  	s1 =	rddreg [dreg:$0x0]  }
0x2: {  	s0 =	srdreg.scid;
	s3 =	rddreg [dreg:$0x1]  }
0x3: {  	s7 =	stileid.u32;
	s5 =	rddreg [dreg:$0x2]  }
0x4: {  	s0 =	sand.u32 $0x1, s0;
	s4 =	sshrl.u32 s7, $0x1;
	s28 =	sshll.u32 s7, $0xA  }
0x5: {  	s7 =	sshll.u32 s7, $0xF;
	s2 =	sshll.u32 s0, $0x3;
	s6 =	sshll.u32 s0, $0x9  }
0x6: {  	s29 =	ssub.s32 $0x2, s0;
	s5 =	sadd.s32 s7, s5;
	s4 =	sor.u32 s4, s2  }
0x7: {  	s0 =	sshll.u32 s0, $0xE;
	s2 =	simm.s32 $0x0;
	s4 =	smul.u32 $0xD00, s4  }
0x8: {  	s30 =	sshrl.u32 s29, $0x1;
	s0 =	sadd.s32 s0, s5;
	[smem:$0x7FF] =	sst s2  }
0x9: {  	_ =	strace $0x80000047;
	[dreg:$0x4] =	wrdreg s0;
	s1 =	sadd.s32 s4, s1  }
0xa: {  	s4 =	sor.u32 s6, s28;
	s6 =	ssub.s32 s29, s30;
	s1 =	sadd.s32 $0x400, s1  }
0xb: {  	s4 =	sshrl.u32 s4, $0x3;
	s31 =	smax.u32 s6, $0x1;
	[dreg:$0xe] =	wrdreg s1  }
0xc: {  	s3 =	sadd.s32 s3, s4;
	[dreg:$0xf] =	wrdreg s31  }
0xd: {  	[dreg:$0xd] =	wrdreg s3;
	s3 =	simm.s32 $0x0  }
.LBB2_1:
0xe: {  	[dreg:$0x10] =	wrdreg s3  }
0xf: {  	s0 =	simm.s32 $0x6800;
	s1 =	rddreg [dreg:$0xd];
	s17 =	simm.s32 $0x2  }
0x10: {  	[tilespmem:s0], [sflag:$0x2] =	stream.linear.gather [hbm4b:s1+s2], $0x200, $0x38;
	[tilespmem:$0x6A00] =	vst v63  }
0x11: {  	_ =	swait.ge [sflag:s17], $0x200  }
0x12: {  	[sflag:s17] =	ssyncset.done $0x0  }
0x13: {  	s18 =	rddreg [dreg:$0xe];
	[sflag:s17] =	ssyncadd.s32 $0xFFFFFE00  }
0x14: {  	[tilespmem:s2], [sflag:$0x2] =	stream.linear.gather [hbm4b:s18+s2], $0x6800, $0x38;
	[tilespmem:$0x6A00] =	vst v63  }
0x15: {  	_ =	swait.ge [sflag:s17], $0x6800  }
0x16: {  	[sflag:s17] =	ssyncset.done $0x0  }
0x17: {  	[sflag:s17] =	ssyncadd.s32 $0xFFFF9800  }
0x18: {  	v0 =	vld [tilespmem:s0+$0x0];
	_ =	sdelay $0x4  }
0x19: {  	(v2sf) =	vpush v0, $0x1  }
0x1a: {  	(v2sf) =	vpush v0, $0x2  }
0x1b: {  	(v2sf) =	vpush v0, $0x3  }
0x1c: {  	(v2sf) =	vpush v0, $0x0;
	_ =	sdelay $0x6  }
0x1d: {  	s19 =	rddreg [dreg:$0x4]  }
0x1e: {  	s9 =	sadd.s32 $0x0, s19  }
0x1f: {  	s10 =	simm.s32 $0x200;
	s6 =	sadd.s32 $0x50, s9;
	s7 =	sadd.s32 $0x60, s9  }
0x20: {  	s12 =	sadd.s32 $0x70, s9;
	s13 =	sadd.s32 $0x80, s9;
	s14 =	sadd.s32 $0x20, s9  }
0x21: {  	s4 =	sadd.s32 $0x10, s9;
	s1 =	sadd.s32 $0x100, s9;
	s26 =	sadd.s32 $0x30, s9  }
0x22: {  	s29 =	sadd.s32 $0x150, s9;
	s30 =	sadd.s32 $0x40, s9;
	s20 =	spop (v2sf)  }
0x23: {  	s18 =	sadd.s32 $0xC0, s9;
	s19 =	sadd.s32 $0xE0, s9;
	s5 =	spop (v2sf)  }
0x24: {  	s23 =	sshll.u32 s20, $0x8;
	s3 =	sshll.u32 s20, $0x7;
	s11 =	spop (v2sf)  }
0x25: {  	(v2sf) =	vpush v0, $0x6;
	s20 =	sadd.s32 $0x90, s9;
	s24 =	sand.u32 $0xFFFFF800, s23;
	s21 =	spop (v2sf)  }
0x26: {  	(v2sf) =	vpush v0, $0x4;
	s25 =	sand.u32 $0x380, s3;
	s22 =	sshll.u32 s21, $0x8;
	s0 =	sshll.u32 s21, $0x7  }
0x27: {  	s3 =	sadd.s32 $0xF0, s9;
	s15 =	sand.u32 $0xFFFFF800, s22;
	s16 =	sand.u32 $0x380, s0  }
0x28: {  	s28 =	sshll.u32 s5, $0x8;
	s5 =	sshll.u32 s5, $0x7;
	(v2sf) =	vpush v0, $0x5;
	s15 =	sor.u32 s16, s15  }
0x29: {  	[hbm4b:s9+s2] =	stream.linear.scatter [tilespmem:s15], [sflag:$0x1], $0x80, $0x38;
	[tilespmem:$0x6A00] =	vst v63  }
0x2a: {  	s31 =	sshll.u32 s11, $0x8;
	s11 =	sshll.u32 s11, $0x7;
	s15 =	sor.u32 $0x400, s15  }
0x2b: {  	[hbm4b:s4+s2] =	stream.linear.scatter [tilespmem:s15], [sflag:$0x1], $0x80, $0x38;
	[tilespmem:$0x6A00] =	vst v63  }
0x2c: {  	s5 =	sand.u32 $0x380, s5;
	s11 =	sand.u32 $0x380, s11;
	s15 =	sor.u32 s25, s24  }
0x2d: {  	(v2sf) =	vpush v0, $0x7;
	[hbm4b:s14+s2] =	stream.linear.scatter [tilespmem:s15], [sflag:$0x1], $0x80, $0x38;
	[tilespmem:$0x6A00] =	vst v63  }
0x2e: {  	s0 =	sadd.s32 $0x110, s9;
	s15 =	sor.u32 $0x400, s15;
	s14 =	sand.u32 $0xFFFFF800, s28  }
0x2f: {  	[hbm4b:s26+s2] =	stream.linear.scatter [tilespmem:s15], [sflag:$0x1], $0x80, $0x38;
	[tilespmem:$0x6A00] =	vst v63  }
0x30: {  	s16 =	sadd.s32 $0x140, s9;
	s4 =	sadd.s32 $0xD0, s9;
	s5 =	sor.u32 s5, s14  }
0x31: {  	[hbm4b:s30+s2] =	stream.linear.scatter [tilespmem:s5], [sflag:$0x1], $0x80, $0x38;
	[tilespmem:$0x6A00] =	vst v63  }
0x32: {  	s24 =	sadd.s32 $0xA0, s9;
	s14 =	sand.u32 $0xFFFFF800, s31;
	s5 =	sor.u32 $0x400, s5  }
0x33: {  	[hbm4b:s6+s2] =	stream.linear.scatter [tilespmem:s5], [sflag:$0x1], $0x80, $0x38;
	[tilespmem:$0x6A00] =	vst v63  }
0x34: {  	s25 =	sadd.s32 $0xB0, s9;
	s8 =	spop (v2sf);
	s6 =	sor.u32 s11, s14  }
0x35: {  	s15 =	spop (v2sf);
	s26 =	sshll.u32 s8, $0x8;
	s5 =	sshll.u32 s8, $0x7  }
0x36: {  	s8 =	sadd.s32 $0x1C0, s9;
	s17 =	sshll.u32 s15, $0x8;
	s11 =	sshll.u32 s15, $0x7  }
0x37: {  	(v2sf) =	vpush v0, $0x8;
	s21 =	spop (v2sf);
	s28 =	sand.u32 $0xFFFFF800, s26;
	s5 =	sand.u32 $0x380, s5  }
0x38: {  	[hbm4b:s7+s2] =	stream.linear.scatter [tilespmem:s6], [sflag:$0x1], $0x80, $0x38;
	[tilespmem:$0x6A00] =	vst v63  }
0x39: {  	(v2sf) =	vpush v0, $0x9;
	s26 =	sadd.s32 $0x1D0, s9;
	s6 =	sor.u32 $0x400, s6;
	s7 =	sand.u32 $0xFFFFF800, s17  }
0x3a: {  	(v2sf) =	vpush v0, $0xA;
	s11 =	sand.u32 $0x380, s11;
	s22 =	sshll.u32 s21, $0x8;
	s17 =	sadd.s32 $0x130, s9  }
0x3b: {  	[hbm4b:s12+s2] =	stream.linear.scatter [tilespmem:s6], [sflag:$0x1], $0x80, $0x38;
	[tilespmem:$0x6A00] =	vst v63  }
0x3c: {  	s30 =	spop (v2sf);
	s7 =	sor.u32 s11, s7;
	s11 =	sshll.u32 s21, $0x7  }
0x3d: {  	[hbm4b:s13+s2] =	stream.linear.scatter [tilespmem:s7], [sflag:$0x1], $0x80, $0x38;
	[tilespmem:$0x6A00] =	vst v63  }
0x3e: {  	s23 =	sand.u32 $0xFFFFF800, s22;
	s11 =	sand.u32 $0x380, s11;
	s7 =	sor.u32 $0x400, s7  }
0x3f: {  	[hbm4b:s20+s2] =	stream.linear.scatter [tilespmem:s7], [sflag:$0x1], $0x80, $0x38;
	[tilespmem:$0x6A00] =	vst v63  }
0x40: {  	s5 =	sor.u32 s5, s28;
	s31 =	sshll.u32 s30, $0x8;
	s7 =	sor.u32 s11, s23  }
0x41: {  	[hbm4b:s24+s2] =	stream.linear.scatter [tilespmem:s7], [sflag:$0x1], $0x80, $0x38;
	[tilespmem:$0x6A00] =	vst v63  }
0x42: {  	s28 =	sadd.s32 $0x120, s9;
	s14 =	sand.u32 $0xFFFFF800, s31;
	s7 =	sor.u32 $0x400, s7  }
0x43: {  	[hbm4b:s25+s2] =	stream.linear.scatter [tilespmem:s7], [sflag:$0x1], $0x80, $0x38;
	[tilespmem:$0x6A00] =	vst v63  }
0x44: {  	s13 =	sadd.s32 $0x1B0, s9;
	s11 =	simm.s32 $0x6810;
	s7 =	sshll.u32 s30, $0x7  }
0x45: {  	[hbm4b:s18+s2] =	stream.linear.scatter [tilespmem:s5], [sflag:$0x1], $0x80, $0x38;
	[tilespmem:$0x6A00] =	vst v63  }
0x46: {  	s15 =	sand.u32 $0x380, s7;
	s5 =	sor.u32 $0x400, s5;
	s18 =	spop (v2sf)  }
0x47: {  	[hbm4b:s4+s2] =	stream.linear.scatter [tilespmem:s5], [sflag:$0x1], $0x80, $0x38;
	[tilespmem:$0x6A00] =	vst v63  }
0x48: {  	s22 =	spop (v2sf);
	s4 =	sor.u32 s15, s14;
	s5 =	sshll.u32 s18, $0x7  }
0x49: {  	s23 =	sshll.u32 s22, $0x8;
	s30 =	spop (v2sf);
	s21 =	sand.u32 $0x380, s5  }
0x4a: {  	[hbm4b:s19+s2] =	stream.linear.scatter [tilespmem:s4], [sflag:$0x1], $0x80, $0x38;
	[tilespmem:$0x6A00] =	vst v63  }
0x4b: {  	s5 =	sshll.u32 s22, $0x7;
	s24 =	sand.u32 $0xFFFFF800, s23;
	s19 =	sshll.u32 s18, $0x8  }
0x4c: {  	s31 =	sshll.u32 s30, $0x8;
	s4 =	sor.u32 $0x400, s4;
	s20 =	sand.u32 $0xFFFFF800, s19  }
0x4d: {  	[hbm4b:s3+s2] =	stream.linear.scatter [tilespmem:s4], [sflag:$0x1], $0x80, $0x38;
	[tilespmem:$0x6A00] =	vst v63  }
0x4e: {  	s25 =	sand.u32 $0x380, s5;
	s18 =	sadd.s32 $0x190, s9;
	s3 =	sor.u32 s21, s20  }
0x4f: {  	[hbm4b:s1+s2] =	stream.linear.scatter [tilespmem:s3], [sflag:$0x1], $0x80, $0x38;
	[tilespmem:$0x6A00] =	vst v63  }
0x50: {  	s19 =	sadd.s32 $0x180, s9;
	s20 =	sadd.s32 $0x170, s9;
	s3 =	sor.u32 $0x400, s3  }
0x51: {  	(v2sf) =	vpush v0, $0xB;
	[hbm4b:s0+s2] =	stream.linear.scatter [tilespmem:s3], [sflag:$0x1], $0x80, $0x38;
	[tilespmem:$0x6A00] =	vst v63  }
0x52: {  	(v2sf) =	vpush v0, $0xC;
	s1 =	sand.u32 $0xFFFFF800, s31;
	s0 =	sor.u32 s25, s24;
	s3 =	sshll.u32 s30, $0x7  }
0x53: {  	(v2sf) =	vpush v0, $0xD;
	[hbm4b:s28+s2] =	stream.linear.scatter [tilespmem:s0], [sflag:$0x1], $0x80, $0x38;
	[tilespmem:$0x6A00] =	vst v63  }
.LBB2_2:
0x54: {  	_ =	sdelay $0x5  }
0x55: {  	s4 =	sor.u32 $0x400, s0;
	s3 =	sand.u32 $0x380, s3  }
0x56: {  	[hbm4b:s17+s2] =	stream.linear.scatter [tilespmem:s4], [sflag:$0x1], $0x80, $0x38;
	[tilespmem:$0x6A00] =	vst v63  }
0x57: {  	s1 =	sor.u32 s3, s1  }
0x58: {  	[hbm4b:s16+s2] =	stream.linear.scatter [tilespmem:s1], [sflag:$0x1], $0x80, $0x38;
	[tilespmem:$0x6A00] =	vst v63  }
0x59: {  	s1 =	sor.u32 $0x400, s1  }
0x5a: {  	[hbm4b:s29+s2] =	stream.linear.scatter [tilespmem:s1], [sflag:$0x1], $0x80, $0x38;
	[tilespmem:$0x6A00] =	vst v63  }
0x5b: {  	s16 =	sadd.s32 $0x160, s9;
	s5 =	spop (v2sf);
	(v2sf) =	vpush v0, $0xE  }
0x5c: {  	s14 =	sshll.u32 s5, $0x8;
	s15 =	sshll.u32 s5, $0x7;
	s17 =	spop (v2sf)  }
0x5d: {  	(v2sf) =	vpush v0, $0xF;
	s3 =	sand.u32 $0xFFFFF800, s14;
	s4 =	sand.u32 $0x380, s15;
	s22 =	sshll.u32 s17, $0x8  }
0x5e: {  	s25 =	spop (v2sf);
	s3 =	sor.u32 s4, s3;
	s4 =	sshll.u32 s17, $0x7  }
0x5f: {  	[hbm4b:s16+s2] =	stream.linear.scatter [tilespmem:s3], [sflag:$0x1], $0x80, $0x38;
	[tilespmem:$0x6A00] =	vst v63  }
0x60: {  	s23 =	sand.u32 $0xFFFFF800, s22;
	s21 =	sor.u32 $0x400, s3;
	s24 =	sand.u32 $0x380, s4  }
0x61: {  	[hbm4b:s20+s2] =	stream.linear.scatter [tilespmem:s21], [sflag:$0x1], $0x80, $0x38;
	[tilespmem:$0x6A00] =	vst v63  }
0x62: {  	s28 =	sshll.u32 s25, $0x8;
	s4 =	sshll.u32 s25, $0x7;
	s1 =	sor.u32 s24, s23  }
0x63: {  	[hbm4b:s19+s2] =	stream.linear.scatter [tilespmem:s1], [sflag:$0x1], $0x80, $0x38;
	[tilespmem:$0x6A00] =	vst v63  }
0x64: {  	s3 =	sand.u32 $0xFFFFF800, s28;
	s4 =	sand.u32 $0x380, s4;
	s1 =	sor.u32 $0x400, s1  }
0x65: {  	[hbm4b:s18+s2] =	stream.linear.scatter [tilespmem:s1], [sflag:$0x1], $0x80, $0x38;
	[tilespmem:$0x6A00] =	vst v63  }
0x66: {  	s30 =	sadd.s32 $0x1A0, s9;
	s3 =	sor.u32 s4, s3  }
0x67: {  	[hbm4b:s30+s2] =	stream.linear.scatter [tilespmem:s3], [sflag:$0x1], $0x80, $0x38;
	[tilespmem:$0x6A00] =	vst v63  }
0x68: {  	s3 =	sor.u32 $0x400, s3  }
0x69: {  	[hbm4b:s13+s2] =	stream.linear.scatter [tilespmem:s3], [sflag:$0x1], $0x80, $0x38;
	[tilespmem:$0x6A00] =	vst v63  }
0x6a: {  	s31 =	spop (v2sf)  }
0x6b: {  	s5 =	sshll.u32 s31, $0x8;
	s4 =	sshll.u32 s31, $0x7  }
0x6c: {  	s12 =	spop (v2sf);
	s6 =	sand.u32 $0xFFFFF800, s5;
	s7 =	sand.u32 $0x380, s4  }
0x6d: {  	s13 =	sshll.u32 s12, $0x8;
	s4 =	sshll.u32 s12, $0x7;
	s1 =	sor.u32 s7, s6  }
0x6e: {  	[hbm4b:s8+s2] =	stream.linear.scatter [tilespmem:s1], [sflag:$0x1], $0x80, $0x38;
	[tilespmem:$0x6A00] =	vst v63  }
0x6f: {  	s3 =	sand.u32 $0xFFFFF800, s13;
	s4 =	sand.u32 $0x380, s4;
	s1 =	sor.u32 $0x400, s1  }
0x70: {  	[hbm4b:s26+s2] =	stream.linear.scatter [tilespmem:s1], [sflag:$0x1], $0x80, $0x38;
	[tilespmem:$0x6A00] =	vst v63  }
0x71: {  	s14 =	sadd.s32 $0x1E0, s9;
	s3 =	sor.u32 s4, s3  }
0x72: {  	[hbm4b:s14+s2] =	stream.linear.scatter [tilespmem:s3], [sflag:$0x1], $0x80, $0x38;
	[tilespmem:$0x6A00] =	vst v63  }
0x73: {  	s16 =	sadd.s32 $0x1F0, s9;
	s15 =	sor.u32 $0x400, s3  }
0x74: {  	[hbm4b:s16+s2] =	stream.linear.scatter [tilespmem:s15], [sflag:$0x1], $0x80, $0x38;
	[tilespmem:$0x6A00] =	vst v63  }
0x75: {  	v0 =	vld [tilespmem:s11+$0x0];
	_ =	sdelay $0x4  }
0x76: {  	(v2sf) =	vpush v0, $0x1  }
0x77: {  	s0 =	smov.u32 s10;
	s17 =	rddreg [dreg:$0x4];
	(v2sf) =	vpush v0, $0x2  }
0x78: {  	s9 =	sadd.s32 s0, s17;
	(v2sf) =	vpush v0, $0x3  }
0x79: {  	p0 =	sne.s32 s10, $0x3E00;
	s10 =	sadd.s32 $0x200, s10;
	s0 =	sadd.s32 $0x80, s9;
	(v2sf) =	vpush v0, $0x0  }
0x7a: {  	s29 =	sadd.s32 $0x150, s9;
	s22 =	sadd.s32 $0xC0, s9;
	[dreg:$0xc] =	wrdreg s0  }
0x7b: {  	s23 =	sadd.s32 $0xE0, s9;
	s17 =	sadd.s32 $0x130, s9;
	[dreg:$0xb] =	wrdreg s22  }
0x7c: {  	s28 =	sadd.s32 $0xA0, s9;
	s20 =	sadd.s32 $0xD0, s9;
	[dreg:$0xa] =	wrdreg s23;
	(v2sf) =	vpush v0, $0x6  }
0x7d: {  	s21 =	sadd.s32 $0xF0, s9;
	s0 =	sadd.s32 $0x140, s9;
	[dreg:$0x9] =	wrdreg s20  }
0x7e: {  	[dreg:$0x7] =	wrdreg s21;
	s20 =	sadd.s32 $0x170, s9;
	s19 =	sadd.s32 $0x110, s9;
	(v2sf) =	vpush v0, $0x4  }
0x7f: {  	[dreg:$0x5] =	wrdreg s19;
	s19 =	sadd.s32 $0x180, s9;
	s18 =	sadd.s32 $0x100, s9  }
0x80: {  	[dreg:$0x6] =	wrdreg s18;
	s18 =	sadd.s32 $0x190, s9;
	s30 =	sadd.s32 $0x70, s9  }
0x81: {  	s31 =	sadd.s32 $0xB0, s9;
	s5 =	sadd.s32 $0x20, s9;
	s12 =	sadd.s32 $0x120, s9  }
0x82: {  	s6 =	sadd.s32 $0x10, s9;
	s7 =	sadd.s32 $0x40, s9;
	[dreg:$0x8] =	wrdreg s12  }
0x83: {  	s4 =	sadd.s32 $0x90, s9;
	s8 =	sadd.s32 $0x30, s9;
	s1 =	sadd.s32 $0x60, s9  }
0x84: {  	s26 =	sadd.s32 $0x1D0, s9;
	s3 =	sadd.s32 $0x50, s9;
	s16 =	sadd.s32 $0x1B0, s9  }
0x85: {  	s15 =	sadd.s32 $0x1C0, s9;
	s11 =	sadd.s32 $0x10, s11;
	s24 =	spop (v2sf)  }
0x86: {  	s21 =	sshll.u32 s24, $0x8;
	s12 =	sshll.u32 s24, $0x7;
	s22 =	spop (v2sf)  }
0x87: {  	(v2sf) =	vpush v0, $0x5;
	s21 =	sand.u32 $0xFFFFF800, s21;
	s12 =	sand.u32 $0x380, s12;
	s23 =	spop (v2sf)  }
0x88: {  	s25 =	sshll.u32 s22, $0x8;
	s22 =	sshll.u32 s22, $0x7;
	s14 =	spop (v2sf)  }
0x89: {  	s12 =	sor.u32 s12, s21;
	s24 =	sshll.u32 s14, $0x8;
	s13 =	sshll.u32 s14, $0x7  }
0x8a: {  	s21 =	sand.u32 $0xFFFFF800, s25;
	s24 =	sand.u32 $0xFFFFF800, s24;
	s13 =	sand.u32 $0x380, s13  }
0x8b: {  	s22 =	sand.u32 $0x380, s22;
	s14 =	spop (v2sf);
	s13 =	sor.u32 s13, s24  }
0x8c: {  	(v2sf) =	vpush v0, $0x7;
	[hbm4b:s9+s2] =	stream.linear.scatter [tilespmem:s13], [sflag:$0x1], $0x80, $0x38;
	[tilespmem:$0x6A00] =	vst v63  }
0x8d: {  	s25 =	sshll.u32 s23, $0x8;
	s24 =	spop (v2sf);
	s13 =	sor.u32 $0x400, s13  }
0x8e: {  	[hbm4b:s6+s2] =	stream.linear.scatter [tilespmem:s13], [sflag:$0x1], $0x80, $0x38;
	[tilespmem:$0x6A00] =	vst v63  }
0x8f: {  	s6 =	sand.u32 $0xFFFFF800, s25;
	s25 =	sshll.u32 s23, $0x7;
	s23 =	sshll.u32 s24, $0x8  }
0x90: {  	s22 =	sor.u32 s22, s21;
	s13 =	sand.u32 $0xFFFFF800, s23;
	s23 =	sshll.u32 s24, $0x7  }
0x91: {  	[hbm4b:s5+s2] =	stream.linear.scatter [tilespmem:s12], [sflag:$0x1], $0x80, $0x38;
	[tilespmem:$0x6A00] =	vst v63  }
0x92: {  	s25 =	sand.u32 $0x380, s25;
	s12 =	sor.u32 $0x400, s12;
	s24 =	sand.u32 $0x380, s23  }
0x93: {  	[hbm4b:s8+s2] =	stream.linear.scatter [tilespmem:s12], [sflag:$0x1], $0x80, $0x38;
	[tilespmem:$0x6A00] =	vst v63  }
0x94: {  	s6 =	sor.u32 s25, s6;
	s5 =	sor.u32 $0x400, s22;
	s24 =	sor.u32 s24, s13  }
0x95: {  	[hbm4b:s7+s2] =	stream.linear.scatter [tilespmem:s22], [sflag:$0x1], $0x80, $0x38;
	[tilespmem:$0x6A00] =	vst v63  }
0x96: {  	s13 =	smov.u32 s16;
	s16 =	smov.u32 s0;
	s25 =	spop (v2sf)  }
0x97: {  	(v2sf) =	vpush v0, $0x8;
	[hbm4b:s3+s2] =	stream.linear.scatter [tilespmem:s5], [sflag:$0x1], $0x80, $0x38;
	[tilespmem:$0x6A00] =	vst v63  }
0x98: {  	s8 =	sshll.u32 s14, $0x8;
	s5 =	sshll.u32 s25, $0x8;
	s21 =	sshll.u32 s25, $0x7  }
0x99: {  	s22 =	sor.u32 $0x400, s6;
	s3 =	sand.u32 $0xFFFFF800, s5;
	s5 =	sand.u32 $0x380, s21  }
0x9a: {  	[hbm4b:s1+s2] =	stream.linear.scatter [tilespmem:s6], [sflag:$0x1], $0x80, $0x38;
	[tilespmem:$0x6A00] =	vst v63  }
0x9b: {  	(v2sf) =	vpush v0, $0x9;
	s6 =	sshll.u32 s14, $0x7;
	s23 =	spop (v2sf);
	s1 =	sor.u32 $0x400, s24  }
0x9c: {  	s5 =	sor.u32 s5, s3;
	s25 =	sshll.u32 s23, $0x8;
	s12 =	sshll.u32 s23, $0x7  }
0x9d: {  	[hbm4b:s30+s2] =	stream.linear.scatter [tilespmem:s22], [sflag:$0x1], $0x80, $0x38;
	[tilespmem:$0x6A00] =	vst v63  }
0x9e: {  	s21 =	sor.u32 $0x400, s5;
	s23 =	sand.u32 $0x380, s6;
	s30 =	rddreg [dreg:$0xc]  }
0x9f: {  	[hbm4b:s30+s2] =	stream.linear.scatter [tilespmem:s24], [sflag:$0x1], $0x80, $0x38;
	[tilespmem:$0x6A00] =	vst v63  }
0xa0: {  	s6 =	rddreg [dreg:$0x9];
	s7 =	sand.u32 $0xFFFFF800, s25;
	s14 =	sand.u32 $0x380, s12  }
0xa1: {  	(v2sf) =	vpush v0, $0xA;
	[hbm4b:s4+s2] =	stream.linear.scatter [tilespmem:s1], [sflag:$0x1], $0x80, $0x38;
	[tilespmem:$0x6A00] =	vst v63  }
0xa2: {  	s22 =	sand.u32 $0xFFFFF800, s8;
	s25 =	sor.u32 s14, s7;
	s14 =	rddreg [dreg:$0xa]  }
0xa3: {  	[hbm4b:s28+s2] =	stream.linear.scatter [tilespmem:s5], [sflag:$0x1], $0x80, $0x38;
	[tilespmem:$0x6A00] =	vst v63  }
0xa4: {  	s8 =	smov.u32 s15;
	s24 =	sor.u32 s23, s22;
	s30 =	rddreg [dreg:$0xb]  }
0xa5: {  	[hbm4b:s31+s2] =	stream.linear.scatter [tilespmem:s21], [sflag:$0x1], $0x80, $0x38;
	[tilespmem:$0x6A00] =	vst v63  }
0xa6: {  	s0 =	sor.u32 $0x400, s24;
	s1 =	sor.u32 $0x400, s25;
	s28 =	spop (v2sf)  }
0xa7: {  	[hbm4b:s30+s2] =	stream.linear.scatter [tilespmem:s24], [sflag:$0x1], $0x80, $0x38;
	[tilespmem:$0x6A00] =	vst v63  }
0xa8: {  	s3 =	sshll.u32 s28, $0x7;
	s31 =	sshll.u32 s28, $0x8;
	s21 =	rddreg [dreg:$0x7]  }
0xa9: {  	[hbm4b:s6+s2] =	stream.linear.scatter [tilespmem:s0], [sflag:$0x1], $0x80, $0x38;
	[tilespmem:$0x6A00] =	vst v63  }
0xaa: {  	s7 =	sand.u32 $0xFFFFF800, s31;
	s31 =	rddreg [dreg:$0x8];
	s12 =	spop (v2sf)  }
0xab: {  	[hbm4b:s14+s2] =	stream.linear.scatter [tilespmem:s25], [sflag:$0x1], $0x80, $0x38;
	[tilespmem:$0x6A00] =	vst v63  }
0xac: {  	s3 =	sand.u32 $0x380, s3;
	s30 =	rddreg [dreg:$0x5];
	s15 =	sshll.u32 s12, $0x8  }
0xad: {  	[hbm4b:s21+s2] =	stream.linear.scatter [tilespmem:s1], [sflag:$0x1], $0x80, $0x38;
	[tilespmem:$0x6A00] =	vst v63  }
0xae: {  	s23 =	sshll.u32 s12, $0x7;
	s0 =	sor.u32 s3, s7;
	s25 =	rddreg [dreg:$0x6]  }
0xaf: {  	[hbm4b:s25+s2] =	stream.linear.scatter [tilespmem:s0], [sflag:$0x1], $0x80, $0x38;
	[tilespmem:$0x6A00] =	vst v63  }
.Ltmp0:
0xb0: {  	s22 =	sand.u32 $0xFFFFF800, s15;
	s24 =	spop (v2sf);
	(pc) =	sbr.rel @p0 .LBB2_2-.Ltmp0, $4  }
0xb1: {  	s3 =	sand.u32 $0x380, s23;
	s28 =	sshll.u32 s24, $0x8;
	s0 =	sor.u32 $0x400, s0  }
0xb2: {  	(v2sf) =	vpush v0, $0xB;
	[hbm4b:s30+s2] =	stream.linear.scatter [tilespmem:s0], [sflag:$0x1], $0x80, $0x38;
	[tilespmem:$0x6A00] =	vst v63  }
0xb3: {  	(v2sf) =	vpush v0, $0xC;
	s1 =	sand.u32 $0xFFFFF800, s28;
	s0 =	sor.u32 s3, s22;
	s3 =	sshll.u32 s24, $0x7  }
0xb4: {  	(v2sf) =	vpush v0, $0xD;
	[hbm4b:s31+s2] =	stream.linear.scatter [tilespmem:s0], [sflag:$0x1], $0x80, $0x38;
	[tilespmem:$0x6A00] =	vst v63  }
0xb5: {  	_ =	sdelay $0x5  }
0xb6: {  	s0 =	sor.u32 $0x400, s0;
	s3 =	sand.u32 $0x380, s3  }
0xb7: {  	[hbm4b:s17+s2] =	stream.linear.scatter [tilespmem:s0], [sflag:$0x1], $0x80, $0x38;
	[tilespmem:$0x6A00] =	vst v63  }
0xb8: {  	s1 =	sor.u32 s3, s1  }
0xb9: {  	[hbm4b:s16+s2] =	stream.linear.scatter [tilespmem:s1], [sflag:$0x1], $0x80, $0x38;
	[tilespmem:$0x6A00] =	vst v63  }
0xba: {  	s0 =	sor.u32 $0x400, s1  }
0xbb: {  	[hbm4b:s29+s2] =	stream.linear.scatter [tilespmem:s0], [sflag:$0x1], $0x80, $0x38;
	[tilespmem:$0x6A00] =	vst v63  }
0xbc: {  	s6 =	sadd.s32 $0x160, s9;
	s4 =	spop (v2sf);
	(v2sf) =	vpush v0, $0xE  }
0xbd: {  	s3 =	sshll.u32 s4, $0x8;
	s5 =	sshll.u32 s4, $0x7;
	s7 =	spop (v2sf)  }
0xbe: {  	(v2sf) =	vpush v0, $0xF;
	s1 =	sand.u32 $0xFFFFF800, s3;
	s3 =	sand.u32 $0x380, s5;
	s11 =	sshll.u32 s7, $0x8  }
0xbf: {  	s15 =	spop (v2sf);
	s1 =	sor.u32 s3, s1;
	s3 =	sshll.u32 s7, $0x7  }
0xc0: {  	[hbm4b:s6+s2] =	stream.linear.scatter [tilespmem:s1], [sflag:$0x1], $0x80, $0x38;
	[tilespmem:$0x6A00] =	vst v63  }
0xc1: {  	s12 =	sand.u32 $0xFFFFF800, s11;
	s10 =	sor.u32 $0x400, s1;
	s14 =	sand.u32 $0x380, s3  }
0xc2: {  	[hbm4b:s20+s2] =	stream.linear.scatter [tilespmem:s10], [sflag:$0x1], $0x80, $0x38;
	[tilespmem:$0x6A00] =	vst v63  }
0xc3: {  	s16 =	sshll.u32 s15, $0x8;
	s3 =	sshll.u32 s15, $0x7;
	s0 =	sor.u32 s14, s12  }
0xc4: {  	[hbm4b:s19+s2] =	stream.linear.scatter [tilespmem:s0], [sflag:$0x1], $0x80, $0x38;
	[tilespmem:$0x6A00] =	vst v63  }
0xc5: {  	s1 =	sand.u32 $0xFFFFF800, s16;
	s3 =	sand.u32 $0x380, s3;
	s0 =	sor.u32 $0x400, s0  }
0xc6: {  	[hbm4b:s18+s2] =	stream.linear.scatter [tilespmem:s0], [sflag:$0x1], $0x80, $0x38;
	[tilespmem:$0x6A00] =	vst v63  }
0xc7: {  	s17 =	sadd.s32 $0x1A0, s9;
	s1 =	sor.u32 s3, s1  }
0xc8: {  	[hbm4b:s17+s2] =	stream.linear.scatter [tilespmem:s1], [sflag:$0x1], $0x80, $0x38;
	[tilespmem:$0x6A00] =	vst v63  }
0xc9: {  	s19 =	sor.u32 $0x400, s1  }
0xca: {  	[hbm4b:s13+s2] =	stream.linear.scatter [tilespmem:s19], [sflag:$0x1], $0x80, $0x38;
	[tilespmem:$0x6A00] =	vst v63  }
0xcb: {  	s18 =	spop (v2sf)  }
0xcc: {  	s20 =	sshll.u32 s18, $0x8;
	s3 =	sshll.u32 s18, $0x7  }
0xcd: {  	s23 =	spop (v2sf);
	s21 =	sand.u32 $0xFFFFF800, s20;
	s22 =	sand.u32 $0x380, s3  }
0xce: {  	s24 =	sshll.u32 s23, $0x8;
	s3 =	sshll.u32 s23, $0x7;
	s0 =	sor.u32 s22, s21  }
0xcf: {  	[hbm4b:s8+s2] =	stream.linear.scatter [tilespmem:s0], [sflag:$0x1], $0x80, $0x38;
	[tilespmem:$0x6A00] =	vst v63  }
0xd0: {  	s1 =	sand.u32 $0xFFFFF800, s24;
	s3 =	sand.u32 $0x380, s3;
	s0 =	sor.u32 $0x400, s0  }
0xd1: {  	[hbm4b:s26+s2] =	stream.linear.scatter [tilespmem:s0], [sflag:$0x1], $0x80, $0x38;
	[tilespmem:$0x6A00] =	vst v63  }
0xd2: {  	s25 =	sadd.s32 $0x1E0, s9;
	s1 =	sor.u32 s3, s1  }
0xd3: {  	[hbm4b:s25+s2] =	stream.linear.scatter [tilespmem:s1], [sflag:$0x1], $0x80, $0x38;
	[tilespmem:$0x6A00] =	vst v63  }
0xd4: {  	s28 =	sadd.s32 $0x1F0, s9;
	s29 =	simm.s32 $0x1;
	s26 =	sor.u32 $0x400, s1  }
0xd5: {  	[hbm4b:s28+s2] =	stream.linear.scatter [tilespmem:s26], [sflag:$0x1], $0x80, $0x38;
	[tilespmem:$0x6A00] =	vst v63  }
0xd6: {  	_ =	swait.ge [sflag:s29], $0x8000  }
0xd7: {  	[sflag:s29] =	ssyncset.done $0x0  }
0xd8: {  	[sflag:s29] =	ssyncadd.s32 $0xFFFF8000  }
0xd9: {  	_ =	swait.ge [sflag:s29], $0x8000  }
0xda: {  	[sflag:s29] =	ssyncset.done $0x0  }
0xdb: {  	[sflag:s29] =	ssyncadd.s32 $0xFFFF8000  }
0xdc: {  	_ =	swait.ge [sflag:s29], $0x8000  }
0xdd: {  	[sflag:s29] =	ssyncset.done $0x0  }
0xde: {  	[sflag:s29] =	ssyncadd.s32 $0xFFFF8000  }
0xdf: {  	_ =	swait.ge [sflag:s29], $0x8000  }
0xe0: {  	s30 =	rddreg [dreg:$0x10]  }
0xe1: {  	s31 =	rddreg [dreg:$0xf];
	s3 =	sadd.s32 $0x1, s30  }
0xe2: {  	p0 =	sne.s32 s3, s31  }
.Ltmp1:
0xe3: {  	_ = 	snop;
	(pc) =	sbr.rel @p0 .LBB2_1-.Ltmp1, $3  }
0xe4: {  	_ =	sdelay $0x1  }
0xe5: {  	[sflag:s29] =	ssyncset.done $0x0  }
0xe6: {  	[sflag:s29] =	ssyncadd.s32 $0xFFFF8000  }
0xe7: {  	_ =	sfence.sel $0x180000  }
0xe8: {  	[bflag:$0x0] =	sbarrier.arrive $0xFFFF  }
0xe9: {  	_ =	strace $0x90000047  }
0xea: {  	s0 =	stileid.u32;
	[bflag:$0x2] =	sbarrier.arrive $0xFFFF  }
0xeb: {  	p0 =	sne.s32 s0, $0x0;
	s0 =	rddreg [dreg:$0x3]  }
0xec: {  	s0 =	sadd.s32 @!p0 $0x100000, s0  }
0xed: {  	[sflag:s0] =	ssyncadd.tile.s32 @!p0 $0x1;
	_ =	shalt  }
.Lfunc_end2:
_tile_overlayer_lowered:
.L_overlay_start_2:
0xee: {  	(tag) =	ssettag $0x2  }
0xef: {  	s0 =	rddreg [dreg:$0x0];
	s2 =	stileid.u32  }
0xf0: {  	s1 =	rddreg [dreg:$0x1];
	p0 =	sne.s32 s2, $0x0  }
0xf1: {  	s3 =	rddreg [dreg:$0x2];
	[bflag:$0x3] =	sbarrier.arrive $0xFFFF;
	s2 =	simm.s32 @!p0 $0x1C02  }
0xf2: {  	[timem:s3], [sflag:s2] =	dma.local @!p0 [hbm:s0], s1  }
0xf3: {  	s0 =	simm.s32 @!p0 $0x2  }
0xf4: {  	_ =	swait.ge @!p0 [sflag:s0], s1  }
0xf5: {  	s1 =	ssub.s32 @!p0 $0x0, s1;
	[sflag:s0] =	ssyncset.done @!p0 $0x0  }
0xf6: {  	[sflag:s0] =	ssyncadd.s32 @!p0 s1  }
0xf7: {  	[bflag:$0x3] =	sbarrier.arrive $0xFFFF  }
0xf8: {  	_ =	shalt  }

</sc_bundles>
